<compile_context>
chip_gen: v7x
topology: tpu7x:2x2x1
jax: 0.10.2.dev20260603
libtpu: 0.0.44.dev20260713+nightly
codegen_flags: <defaults>
</compile_context>

<pallas_src>
import functools

import jax
import jax.numpy as jnp
from jax import lax
from jax.experimental import pallas as pl
from jax.experimental.pallas import tpu as pltpu
from jax.experimental.pallas import tpu_sc as plsc

NUM_TOKENS = 4096
MODEL_DIM = 1024
NUM_EXPERTS = 64
CAPACITY = 2 * NUM_TOKENS // NUM_EXPERTS
TBLK = 256
NB = NUM_TOKENS // TBLK
CHUNK = 128

ROW_WORDS = NUM_EXPERTS * CAPACITY
OUT_WORDS = NUM_TOKENS * ROW_WORDS
SC_WORKERS = 32
TOK_PER_W = NUM_TOKENS // SC_WORKERS
ENT_PER_W = TOK_PER_W * 2
CHUNK_TOK = 8
CHUNK_WORDS = CHUNK_TOK * ROW_WORDS
N_CHUNKS = TOK_PER_W // CHUNK_TOK


def _cumsum_tokens(m):
    nb = NUM_TOKENS // CHUNK
    mb = m.reshape(nb, CHUNK, NUM_EXPERTS)
    ii = lax.broadcasted_iota(jnp.int32, (CHUNK, CHUNK), 0)
    jj = lax.broadcasted_iota(jnp.int32, (CHUNK, CHUNK), 1)
    tri = (jj <= ii).astype(jnp.float32)
    trib = jnp.broadcast_to(tri, (nb, CHUNK, CHUNK))
    within = lax.dot_general(
        trib, mb, (((2,), (1,)), ((0,), (0,))),
        preferred_element_type=jnp.float32)
    sums = within[:, CHUNK - 1, :]
    bi = lax.broadcasted_iota(jnp.int32, (nb, nb), 0)
    bj = lax.broadcasted_iota(jnp.int32, (nb, nb), 1)
    tri_x = (bj < bi).astype(jnp.float32)
    carry = lax.dot_general(
        tri_x, sums, (((1,), (0,)), ((), ())),
        preferred_element_type=jnp.float32)
    return (within + carry[:, None, :]).reshape(NUM_TOKENS, NUM_EXPERTS)


def _route_kernel(x_ref, w_ref, noise_ref,
                  laux_ref, le8_ref, offs_ref, vals_ref):
    x = x_ref[...]
    w = w_ref[...]
    logits = lax.dot_general(
        x, w, (((1,), (1,)), ((), ())),
        preferred_element_type=jnp.float32)
    m = jnp.max(logits, axis=1, keepdims=True)
    ex = jnp.exp(logits - m)
    gates = ex / jnp.sum(ex, axis=1, keepdims=True)
    iota_e = lax.broadcasted_iota(jnp.int32, (NUM_TOKENS, NUM_EXPERTS), 1)
    e1 = jnp.argmax(logits, axis=1)
    oh1 = iota_e == e1[:, None]
    g1 = jnp.max(gates, axis=1)
    lx = jnp.where(oh1, -jnp.inf, logits + noise_ref[...])
    e2 = jnp.argmax(lx, axis=1)
    oh2 = iota_e == e2[:, None]
    g2 = jnp.sum(jnp.where(oh2, gates, 0.0), axis=1)

    cs1 = _cumsum_tokens(oh1.astype(jnp.float32))
    cs2 = _cumsum_tokens(oh2.astype(jnp.float32))
    counts1 = cs1[NUM_TOKENS - 1:NUM_TOKENS, :]
    loc1 = jnp.sum(jnp.where(oh1, cs1 - 1.0, 0.0), axis=1)
    loc2 = jnp.sum(jnp.where(oh2, cs2 - 1.0 + counts1, 0.0), axis=1)

    g1s = jnp.where(loc1 < CAPACITY, g1, 0.0)
    g2s = jnp.where(loc2 < CAPACITY, g2, 0.0)
    denom = jnp.maximum(g1s + g2s, jnp.finfo(jnp.float32).eps)
    g1n = g1s / denom
    g2n = g2s / denom

    loc1i = loc1.astype(jnp.int32)
    loc2i = loc2.astype(jnp.int32)
    m1 = oh1 & ((loc1i < CAPACITY) & (g1n != 0.0))[:, None]
    m2 = oh2 & ((loc2i < CAPACITY) & (g2n != 0.0))[:, None]
    le = jnp.where(m1, loc1i[:, None],
                   jnp.where(m2, loc2i[:, None], -1))
    le8_ref[...] = le.astype(jnp.int8)

    off1 = e1.astype(jnp.int32) * CAPACITY + jnp.minimum(loc1i, CAPACITY - 1)
    off2 = e2.astype(jnp.int32) * CAPACITY + jnp.minimum(loc2i, CAPACITY - 1)
    offs_ref[...] = jnp.concatenate(
        [off1[:, None], off2[:, None]], axis=1)
    vals_ref[...] = jnp.concatenate(
        [g1n[:, None], g2n[:, None]], axis=1)

    me_sum = jnp.sum(gates, axis=0, keepdims=True)
    laux_ref[...] = jnp.sum(me_sum * counts1, axis=1, keepdims=True) / (
        float(NUM_EXPERTS) * NUM_TOKENS * NUM_TOKENS)


def _disp_kernel(le8_ref, disp_ref):
    le8 = le8_ref[...]
    iota_c = lax.broadcasted_iota(jnp.int8, (TBLK, CAPACITY), 1)
    for e in range(NUM_EXPERTS):
        disp_ref[:, pl.ds(e * CAPACITY, CAPACITY)] = (
            iota_c == le8[:, e:e + 1])


@functools.lru_cache(maxsize=1)
def _sc_combine_fn():
    return functools.partial(
        pl.kernel,
        out_type=jax.ShapeDtypeStruct((OUT_WORDS,), jnp.float32),
        mesh=plsc.VectorSubcoreMesh(core_axis_name="c",
                                    subcore_axis_name="s"),
        compiler_params=pltpu.CompilerParams(needs_layout_passes=False),
        scratch_types=[
            pltpu.VMEM((ENT_PER_W,), jnp.int32),
            pltpu.VMEM((ENT_PER_W,), jnp.float32),
            pltpu.VMEM((CHUNK_WORDS,), jnp.float32),
        ],
    )(_sc_combine_body)


def _sc_combine_body(offs_hbm, vals_hbm, out_hbm, offs_v, vals_v, ring):
    w = lax.axis_index("s") * 2 + lax.axis_index("c")
    pltpu.sync_copy(offs_hbm.at[pl.ds(w * ENT_PER_W, ENT_PER_W)], offs_v)
    pltpu.sync_copy(vals_hbm.at[pl.ds(w * ENT_PER_W, ENT_PER_W)], vals_v)

    zero16 = jnp.zeros((16,), jnp.float32)

    def _zero_body(i, c):
        ring[pl.ds(i * 16, 16)] = zero16
        return c

    lax.fori_loop(0, CHUNK_WORDS // 16, _zero_body, 0)

    pattern = lax.shift_left(
        lax.shift_right_logical(lax.iota(jnp.int32, 16), 1), 13)
    out_base = w * (TOK_PER_W * ROW_WORDS)

    def _body(j, c):
        idx = offs_v[pl.ds(j * 16, 16)] + pattern
        val = vals_v[pl.ds(j * 16, 16)]
        plsc.store_scatter(ring, [idx], val)
        pltpu.sync_copy(
            ring,
            out_hbm.at[pl.ds(out_base + j * CHUNK_WORDS, CHUNK_WORDS)])
        plsc.store_scatter(ring, [idx], zero16)
        return c

    lax.fori_loop(0, N_CHUNKS, _body, 0)


def kernel(input, W):
    noise = jax.random.gumbel(
        jax.random.key(42), (NUM_TOKENS, NUM_EXPERTS), dtype=jnp.float32)
    laux, le8, offs, vals = pl.pallas_call(
        _route_kernel,
        out_shape=[
            jax.ShapeDtypeStruct((1, 1), jnp.float32),
            jax.ShapeDtypeStruct((NUM_TOKENS, NUM_EXPERTS), jnp.int8),
            jax.ShapeDtypeStruct((NUM_TOKENS, 2), jnp.int32),
            jax.ShapeDtypeStruct((NUM_TOKENS, 2), jnp.float32),
        ],
    )(input, W, noise)
    cw_flat = _sc_combine_fn()(offs.reshape(-1), vals.reshape(-1))
    disp = pl.pallas_call(
        _disp_kernel,
        grid=(NB,),
        in_specs=[
            pl.BlockSpec((TBLK, NUM_EXPERTS), lambda i: (i, 0)),
        ],
        out_specs=[
            pl.BlockSpec((TBLK, ROW_WORDS), lambda i: (i, 0)),
        ],
        out_shape=[
            jax.ShapeDtypeStruct((NUM_TOKENS, ROW_WORDS), jnp.bool_),
        ],
    )(le8)[0]
    cw = cw_flat.reshape(NUM_TOKENS, NUM_EXPERTS, CAPACITY)
    return laux.reshape(()), cw, disp.reshape(
        NUM_TOKENS, NUM_EXPERTS, CAPACITY)

# --- scband reference (transcript-rebuilt; emitter-appended) ---
"""Pipeline reference for scband-top2-gate-12489764897371 (READ-ONLY COPY).

The authoritative reference and input builder live on the scoring server;
editing this copy changes nothing except your own understanding.
"""

import jax, jax.numpy as jnp
import numpy as np

NUM_TOKENS = 4096
MODEL_DIM = 1024
NUM_EXPERTS = 64


def _one_hot_int(idx, n):
    # torch one_hot helper creates an int64 tensor (dtype of argmax indices)
    return jax.nn.one_hot(idx, n, dtype=jnp.int32)


def top2gating(logits, gumbel_noise):
    gates = jax.nn.softmax(logits.astype(jnp.float32), axis=1)
    num_tokens, num_experts = gates.shape
    capacity = 2 * num_tokens // num_experts
    assert num_tokens % num_experts == 0
    indices1_s = jnp.argmax(gates, axis=1)
    mask1 = _one_hot_int(indices1_s, num_experts)
    logits_w_noise = logits + gumbel_noise
    logits_except1 = jnp.where(mask1.astype(bool), -jnp.inf, logits_w_noise)
    indices2_s = jnp.argmax(logits_except1, axis=1)
    mask2 = _one_hot_int(indices2_s, num_experts)
    locations1 = jnp.cumsum(mask1, axis=0) - 1
    locations2 = jnp.cumsum(mask2, axis=0) - 1
    locations2 = locations2 + jnp.sum(mask1, axis=0, keepdims=True)
    me = jnp.mean(gates, axis=0)
    ce = jnp.mean(mask1.astype(jnp.float32), axis=0)
    l_aux = jnp.mean(me * ce)
    mask1 = mask1 * (locations1 < capacity).astype(mask1.dtype)
    mask2 = mask2 * (locations2 < capacity).astype(mask2.dtype)
    locations1_s = jnp.sum(locations1 * mask1, axis=1)
    locations2_s = jnp.sum(locations2 * mask2, axis=1)
    gates1_s = jnp.sum(gates * mask1, axis=1)
    gates2_s = jnp.sum(gates * mask2, axis=1)
    denom_s = gates1_s + gates2_s
    denom_s = jnp.maximum(denom_s, jnp.finfo(jnp.float32).eps)
    gates1_s = gates1_s / denom_s
    gates2_s = gates2_s / denom_s
    gates1 = gates1_s[:, None] * mask1
    gates2 = gates2_s[:, None] * mask2
    locations1_sc = _one_hot_int(locations1_s, capacity)
    locations2_sc = _one_hot_int(locations2_s, capacity)
    combine1_sec = gates1[:, :, None] * locations1_sc[:, None, :]
    combine2_sec = gates2[:, :, None] * locations2_sc[:, None, :]
    combine_weights = combine1_sec + combine2_sec
    dispatch_mask = combine_weights.astype(bool)
    return l_aux.astype(logits.dtype), combine_weights.astype(logits.dtype), dispatch_mask


def setup_inputs(seed: int = 0) -> dict:
    key = jax.random.key(seed)
    k1, k2 = jax.random.split(key)
    x = jax.random.normal(k1, (NUM_TOKENS, MODEL_DIM), dtype=jnp.float32)
    W = jax.random.normal(k2, (NUM_EXPERTS, MODEL_DIM), dtype=jnp.float32) * (1.0 / np.sqrt(MODEL_DIM))
    return {"input": x, "W": W}


def reference(input, W):
    logits = input @ W.T  # nn.Linear(model_dim, num_experts, bias=False)
    gumbel_noise = jax.random.gumbel(jax.random.key(42), logits.shape, dtype=jnp.float32)
    l_aux, combine_weights, dispatch_mask = top2gating(logits, gumbel_noise)
    return l_aux, combine_weights, dispatch_mask

if __name__ == "__main__":
    import jax
    _d = setup_inputs()
    print(jax.jit(kernel)(*tuple(_d.values())))

</pallas_src>

<mosaic_0001>
#map = affine_map<(d0, d1) -> (0)>
module attributes {stable_mosaic.version = 14 : i64} {
  func.func @_sc_combine_body(%arg0: i32, %arg1: i32, %arg2: memref<8192xi32, #tpu.memory_space<hbm>>, %arg3: memref<8192xf32, #tpu.memory_space<hbm>>, %arg4: memref<33554432xf32, #tpu.memory_space<hbm>>, %arg5: memref<256xi32, #tpu.memory_space<vmem>>, %arg6: memref<256xf32, #tpu.memory_space<vmem>>, %arg7: memref<65536xf32, #tpu.memory_space<vmem>>) attributes {dimension_semantics = [#tpu.dimension_semantics<core_parallel>, #tpu.dimension_semantics<subcore_parallel>], iteration_bounds = array<i64: 2, 16>, scalar_prefetch = 0 : i64, scratch_operands = 3 : i64, tpu.core_type = #tpu.core_type<sc_vector_subcore>, window_params = [{transform_indices = #map}, {transform_indices = #map}, {transform_indices = #map}]} {
    %mul3A = arith.constant 2 : i32
    %mul3A_0 = arith.muli %arg1, %mul3A : i32
    %add3A = arith.addi %mul3A_0, %arg0 : i32
    %mul3A_1 = arith.constant 256 : i32
    %mul3A_2 = arith.muli %add3A, %mul3A_1 : i32
    "tpu.region"() ({
      %run_scoped3A = tpu.sem_alloc : memref<!tpu.dma_semaphore, #tpu.memory_space<semaphore_mem>>
      %dma_start3A = tpu.memref_slice %arg2[%mul3A_2] : memref<8192xi32, #tpu.memory_space<hbm>> -> memref<256xi32, #tpu.memory_space<hbm>>
      %dma_start3A_23 = tpu.memref_slice %arg2[%mul3A_2] : memref<8192xi32, #tpu.memory_space<hbm>> -> memref<256xi32, #tpu.memory_space<hbm>>
      tpu.enqueue_dma source(%dma_start3A_23 : memref<256xi32, #tpu.memory_space<hbm>>) target(%arg5 : memref<256xi32, #tpu.memory_space<vmem>>) target_semaphore(%run_scoped3A : memref<!tpu.dma_semaphore, #tpu.memory_space<semaphore_mem>>)
      %dma_wait3A = tpu.memref_slice %arg2[%mul3A_2] : memref<8192xi32, #tpu.memory_space<hbm>> -> memref<256xi32, #tpu.memory_space<hbm>>
      %dma_wait3A_24 = tpu.memref_slice %arg2[%mul3A_2] : memref<8192xi32, #tpu.memory_space<hbm>> -> memref<256xi32, #tpu.memory_space<hbm>>
      tpu.wait_dma2 semaphore(%run_scoped3A : memref<!tpu.dma_semaphore, #tpu.memory_space<semaphore_mem>>) src(%dma_wait3A_24 : memref<256xi32, #tpu.memory_space<hbm>>) dst(%arg5 : memref<256xi32, #tpu.memory_space<vmem>>)
      tpu.yield
    }) : () -> ()
    %mul3A_3 = arith.constant 256 : i32
    %mul3A_4 = arith.muli %add3A, %mul3A_3 : i32
    "tpu.region"() ({
      %run_scoped3A = tpu.sem_alloc : memref<!tpu.dma_semaphore, #tpu.memory_space<semaphore_mem>>
      %dma_start3A = tpu.memref_slice %arg3[%mul3A_4] : memref<8192xf32, #tpu.memory_space<hbm>> -> memref<256xf32, #tpu.memory_space<hbm>>
      %dma_start3A_23 = tpu.memref_slice %arg3[%mul3A_4] : memref<8192xf32, #tpu.memory_space<hbm>> -> memref<256xf32, #tpu.memory_space<hbm>>
      tpu.enqueue_dma source(%dma_start3A_23 : memref<256xf32, #tpu.memory_space<hbm>>) target(%arg6 : memref<256xf32, #tpu.memory_space<vmem>>) target_semaphore(%run_scoped3A : memref<!tpu.dma_semaphore, #tpu.memory_space<semaphore_mem>>)
      %dma_wait3A = tpu.memref_slice %arg3[%mul3A_4] : memref<8192xf32, #tpu.memory_space<hbm>> -> memref<256xf32, #tpu.memory_space<hbm>>
      %dma_wait3A_24 = tpu.memref_slice %arg3[%mul3A_4] : memref<8192xf32, #tpu.memory_space<hbm>> -> memref<256xf32, #tpu.memory_space<hbm>>
      tpu.wait_dma2 semaphore(%run_scoped3A : memref<!tpu.dma_semaphore, #tpu.memory_space<semaphore_mem>>) src(%dma_wait3A_24 : memref<256xf32, #tpu.memory_space<hbm>>) dst(%arg6 : memref<256xf32, #tpu.memory_space<vmem>>)
      tpu.yield
    }) : () -> ()
    %broadcast_in_dim3A = arith.constant 0.000000e+00 : f32
    %broadcast_in_dim3A_5 = vector.broadcast %broadcast_in_dim3A : f32 to vector<16xf32>
    %scan3A = arith.constant 0 : i32
    %scan3A_6 = arith.constant 0 : i32
    %scan3A_7 = arith.constant 4096 : i32
    %scan3A_8 = arith.addi %scan3A_6, %scan3A_7 : i32
    %scan3A_9 = arith.constant 1 : i32
    scf.for %scan3A_23 = %scan3A_6 to %scan3A_8 step %scan3A_9  : i32 {
      %mul3A_24 = arith.constant 16 : i32
      %mul3A_25 = arith.muli %scan3A_23, %mul3A_24 : i32
      %swap3A = arith.index_cast %mul3A_25 : i32 to index
      %swap3A_26 = tpu.vector_load %arg7[%swap3A] {strides = array<i32>} : memref<65536xf32, #tpu.memory_space<vmem>>, vector<16xf32>,
      tpu.vector_store %arg7[%swap3A], %broadcast_in_dim3A_5 {strides = array<i32>} : memref<65536xf32, #tpu.memory_space<vmem>>, vector<16xf32>,
    }
    %scan3A_10 = arith.constant 4096 : i32
    %iota3A = tpu.iota {dimensions = array<i32: 0>} : vector<16xi32>
    %shift_right_logical3A = arith.constant 1 : i32
    %shift_right_logical3A_11 = vector.broadcast %shift_right_logical3A : i32 to vector<16xi32>
    %shift_right_logical3A_12 = arith.shrui %iota3A, %shift_right_logical3A_11 : vector<16xi32>
    %shift_left3A = arith.constant 13 : i32
    %shift_left3A_13 = vector.broadcast %shift_left3A : i32 to vector<16xi32>
    %shift_left3A_14 = arith.shli %shift_right_logical3A_12, %shift_left3A_13 : vector<16xi32>
    %mul3A_15 = arith.constant 1048576 : i32
    %mul3A_16 = arith.muli %add3A, %mul3A_15 : i32
    %scan3A_17 = arith.constant 0 : i32
    %scan3A_18 = arith.constant 0 : i32
    %scan3A_19 = arith.constant 16 : i32
    %scan3A_20 = arith.addi %scan3A_18, %scan3A_19 : i32
    %scan3A_21 = arith.constant 1 : i32
    scf.for %scan3A_23 = %scan3A_18 to %scan3A_20 step %scan3A_21  : i32 {
      %mul3A_24 = arith.constant 16 : i32
      %mul3A_25 = arith.muli %scan3A_23, %mul3A_24 : i32
      %get3A = arith.index_cast %mul3A_25 : i32 to index
      %get3A_26 = tpu.vector_load %arg5[%get3A] {strides = array<i32>} : memref<256xi32, #tpu.memory_space<vmem>>, vector<16xi32>,
      %add3A_27 = arith.addi %get3A_26, %shift_left3A_14 : vector<16xi32>
      %mul3A_28 = arith.constant 16 : i32
      %mul3A_29 = arith.muli %scan3A_23, %mul3A_28 : i32
      %get3A_30 = arith.index_cast %mul3A_29 : i32 to index
      %get3A_31 = tpu.vector_load %arg6[%get3A_30] {strides = array<i32>} : memref<256xf32, #tpu.memory_space<vmem>>, vector<16xf32>,
      tpu.vector_store_idx %arg7[%add3A_27], %get3A_31 : memref<65536xf32, #tpu.memory_space<vmem>>[vector<16xi32>], vector<16xf32>,
      %mul3A_32 = arith.constant 65536 : i32
      %mul3A_33 = arith.muli %scan3A_23, %mul3A_32 : i32
      %add3A_34 = arith.addi %mul3A_16, %mul3A_33 : i32
      "tpu.region"() ({
        %run_scoped3A = tpu.sem_alloc : memref<!tpu.dma_semaphore, #tpu.memory_space<semaphore_mem>>
        %dma_start3A = tpu.memref_slice %arg4[%add3A_34] : memref<33554432xf32, #tpu.memory_space<hbm>> -> memref<65536xf32, #tpu.memory_space<hbm>>
        %dma_start3A_35 = tpu.memref_slice %arg4[%add3A_34] : memref<33554432xf32, #tpu.memory_space<hbm>> -> memref<65536xf32, #tpu.memory_space<hbm>>
        tpu.enqueue_dma source(%arg7 : memref<65536xf32, #tpu.memory_space<vmem>>) target(%dma_start3A_35 : memref<65536xf32, #tpu.memory_space<hbm>>) target_semaphore(%run_scoped3A : memref<!tpu.dma_semaphore, #tpu.memory_space<semaphore_mem>>)
        %dma_wait3A = tpu.memref_slice %arg4[%add3A_34] : memref<33554432xf32, #tpu.memory_space<hbm>> -> memref<65536xf32, #tpu.memory_space<hbm>>
        %dma_wait3A_36 = tpu.memref_slice %arg4[%add3A_34] : memref<33554432xf32, #tpu.memory_space<hbm>> -> memref<65536xf32, #tpu.memory_space<hbm>>
        tpu.wait_dma2 semaphore(%run_scoped3A : memref<!tpu.dma_semaphore, #tpu.memory_space<semaphore_mem>>) src(%arg7 : memref<65536xf32, #tpu.memory_space<vmem>>) dst(%dma_wait3A_36 : memref<65536xf32, #tpu.memory_space<hbm>>)
        tpu.yield
      }) : () -> ()
      tpu.vector_store_idx %arg7[%add3A_27], %broadcast_in_dim3A_5 : memref<65536xf32, #tpu.memory_space<vmem>>[vector<16xi32>], vector<16xf32>,
    }
    %scan3A_22 = arith.constant 16 : i32
    return
  }
}

module attributes {stable_mosaic.version = 14 : i64} {
  func.func @_disp_kernel(%arg0: i32, %arg1: memref<256x64xi8, #tpu.memory_space<vmem>>, %arg2: memref<256x8192xi32, #tpu.memory_space<vmem>>) attributes {dimension_semantics = [#tpu.dimension_semantics<arbitrary>], iteration_bounds = array<i64: 16>, scalar_prefetch = 0 : i64, scratch_operands = 0 : i64, tpu.core_type = #tpu.core_type<tc>, window_params = [{transform_indices = @transform_0, window_bounds = array<i64: 256, 64>}, {transform_indices = @transform_1, window_bounds = array<i64: 256, 8192>}]} {
    %get3A = arith.constant 0 : index
    %get3A_0 = arith.constant 0 : index
    %get3A_1 = vector.load %arg1[%get3A, %get3A_0] : memref<256x64xi8, #tpu.memory_space<vmem>>, vector<256x64xi8>
    %iota3A = tpu.iota {dimensions = array<i32: 1>} : vector<256x128xi8>
    %slice3A = vector.extract_strided_slice %get3A_1 {offsets = [0, 0], sizes = [256, 1], strides = [1, 1]} : vector<256x64xi8> to vector<256x1xi8>
    %eq3A = vector.broadcast %slice3A : vector<256x1xi8> to vector<256x128xi8>
    %eq3A_2 = arith.cmpi eq, %iota3A, %eq3A : vector<256x128xi8>
    %swap3A = arith.constant 0 : index
    %swap3A_3 = arith.constant 0 : index
    %swap3A_4 = vector.load %arg2[%swap3A, %swap3A_3] : memref<256x8192xi32, #tpu.memory_space<vmem>>, vector<256x128xi32>
    %swap3A_5 = arith.extui %eq3A_2 : vector<256x128xi1> to vector<256x128xi32>
    %swap3A_6 = arith.constant dense<0> : vector<256x128xi32>
    %swap3A_7 = arith.cmpi ne, %swap3A_4, %swap3A_6 : vector<256x128xi32>
    tpu.vector_store %arg2[%swap3A, %swap3A_3], %swap3A_5 {strides = array<i32>} : memref<256x8192xi32, #tpu.memory_space<vmem>>, vector<256x128xi32>,
    %slice3A_8 = vector.extract_strided_slice %get3A_1 {offsets = [0, 1], sizes = [256, 1], strides = [1, 1]} : vector<256x64xi8> to vector<256x1xi8>
    %eq3A_9 = vector.broadcast %slice3A_8 : vector<256x1xi8> to vector<256x128xi8>
    %eq3A_10 = arith.cmpi eq, %iota3A, %eq3A_9 : vector<256x128xi8>
    %swap3A_11 = arith.constant 0 : index
    %swap3A_12 = arith.constant 128 : index
    %swap3A_13 = vector.load %arg2[%swap3A_11, %swap3A_12] : memref<256x8192xi32, #tpu.memory_space<vmem>>, vector<256x128xi32>
    %swap3A_14 = arith.extui %eq3A_10 : vector<256x128xi1> to vector<256x128xi32>
    %swap3A_15 = arith.constant dense<0> : vector<256x128xi32>
    %swap3A_16 = arith.cmpi ne, %swap3A_13, %swap3A_15 : vector<256x128xi32>
    tpu.vector_store %arg2[%swap3A_11, %swap3A_12], %swap3A_14 {strides = array<i32>} : memref<256x8192xi32, #tpu.memory_space<vmem>>, vector<256x128xi32>,
    %slice3A_17 = vector.extract_strided_slice %get3A_1 {offsets = [0, 2], sizes = [256, 1], strides = [1, 1]} : vector<256x64xi8> to vector<256x1xi8>
    %eq3A_18 = vector.broadcast %slice3A_17 : vector<256x1xi8> to vector<256x128xi8>
    %eq3A_19 = arith.cmpi eq, %iota3A, %eq3A_18 : vector<256x128xi8>
    %swap3A_20 = arith.constant 0 : index
    %swap3A_21 = arith.constant 256 : index
    %swap3A_22 = vector.load %arg2[%swap3A_20, %swap3A_21] : memref<256x8192xi32, #tpu.memory_space<vmem>>, vector<256x128xi32>
    %swap3A_23 = arith.extui %eq3A_19 : vector<256x128xi1> to vector<256x128xi32>
    %swap3A_24 = arith.constant dense<0> : vector<256x128xi32>
    %swap3A_25 = arith.cmpi ne, %swap3A_22, %swap3A_24 : vector<256x128xi32>
    tpu.vector_store %arg2[%swap3A_20, %swap3A_21], %swap3A_23 {strides = array<i32>} : memref<256x8192xi32, #tpu.memory_space<vmem>>, vector<256x128xi32>,
    %slice3A_26 = vector.extract_strided_slice %get3A_1 {offsets = [0, 3], sizes = [256, 1], strides = [1, 1]} : vector<256x64xi8> to vector<256x1xi8>
    %eq3A_27 = vector.broadcast %slice3A_26 : vector<256x1xi8> to vector<256x128xi8>
    %eq3A_28 = arith.cmpi eq, %iota3A, %eq3A_27 : vector<256x128xi8>
    %swap3A_29 = arith.constant 0 : index
    %swap3A_30 = arith.constant 384 : index
    %swap3A_31 = vector.load %arg2[%swap3A_29, %swap3A_30] : memref<256x8192xi32, #tpu.memory_space<vmem>>, vector<256x128xi32>
    %swap3A_32 = arith.extui %eq3A_28 : vector<256x128xi1> to vector<256x128xi32>
    %swap3A_33 = arith.constant dense<0> : vector<256x128xi32>
    %swap3A_34 = arith.cmpi ne, %swap3A_31, %swap3A_33 : vector<256x128xi32>
    tpu.vector_store %arg2[%swap3A_29, %swap3A_30], %swap3A_32 {strides = array<i32>} : memref<256x8192xi32, #tpu.memory_space<vmem>>, vector<256x128xi32>,
    %slice3A_35 = vector.extract_strided_slice %get3A_1 {offsets = [0, 4], sizes = [256, 1], strides = [1, 1]} : vector<256x64xi8> to vector<256x1xi8>
    %eq3A_36 = vector.broadcast %slice3A_35 : vector<256x1xi8> to vector<256x128xi8>
    %eq3A_37 = arith.cmpi eq, %iota3A, %eq3A_36 : vector<256x128xi8>
    %swap3A_38 = arith.constant 0 : index
    %swap3A_39 = arith.constant 512 : index
    %swap3A_40 = vector.load %arg2[%swap3A_38, %swap3A_39] : memref<256x8192xi32, #tpu.memory_space<vmem>>, vector<256x128xi32>
    %swap3A_41 = arith.extui %eq3A_37 : vector<256x128xi1> to vector<256x128xi32>
    %swap3A_42 = arith.constant dense<0> : vector<256x128xi32>
    %swap3A_43 = arith.cmpi ne, %swap3A_40, %swap3A_42 : vector<256x128xi32>
    tpu.vector_store %arg2[%swap3A_38, %swap3A_39], %swap3A_41 {strides = array<i32>} : memref<256x8192xi32, #tpu.memory_space<vmem>>, vector<256x128xi32>,
    %slice3A_44 = vector.extract_strided_slice %get3A_1 {offsets = [0, 5], sizes = [256, 1], strides = [1, 1]} : vector<256x64xi8> to vector<256x1xi8>
    %eq3A_45 = vector.broadcast %slice3A_44 : vector<256x1xi8> to vector<256x128xi8>
    %eq3A_46 = arith.cmpi eq, %iota3A, %eq3A_45 : vector<256x128xi8>
    %swap3A_47 = arith.constant 0 : index
    %swap3A_48 = arith.constant 640 : index
    %swap3A_49 = vector.load %arg2[%swap3A_47, %swap3A_48] : memref<256x8192xi32, #tpu.memory_space<vmem>>, vector<256x128xi32>
    %swap3A_50 = arith.extui %eq3A_46 : vector<256x128xi1> to vector<256x128xi32>
    %swap3A_51 = arith.constant dense<0> : vector<256x128xi32>
    %swap3A_52 = arith.cmpi ne, %swap3A_49, %swap3A_51 : vector<256x128xi32>
    tpu.vector_store %arg2[%swap3A_47, %swap3A_48], %swap3A_50 {strides = array<i32>} : memref<256x8192xi32, #tpu.memory_space<vmem>>, vector<256x128xi32>,
    %slice3A_53 = vector.extract_strided_slice %get3A_1 {offsets = [0, 6], sizes = [256, 1], strides = [1, 1]} : vector<256x64xi8> to vector<256x1xi8>
    %eq3A_54 = vector.broadcast %slice3A_53 : vector<256x1xi8> to vector<256x128xi8>
    %eq3A_55 = arith.cmpi eq, %iota3A, %eq3A_54 : vector<256x128xi8>
    %swap3A_56 = arith.constant 0 : index
    %swap3A_57 = arith.constant 768 : index
    %swap3A_58 = vector.load %arg2[%swap3A_56, %swap3A_57] : memref<256x8192xi32, #tpu.memory_space<vmem>>, vector<256x128xi32>
    %swap3A_59 = arith.extui %eq3A_55 : vector<256x128xi1> to vector<256x128xi32>
    %swap3A_60 = arith.constant dense<0> : vector<256x128xi32>
    %swap3A_61 = arith.cmpi ne, %swap3A_58, %swap3A_60 : vector<256x128xi32>
    tpu.vector_store %arg2[%swap3A_56, %swap3A_57], %swap3A_59 {strides = array<i32>} : memref<256x8192xi32, #tpu.memory_space<vmem>>, vector<256x128xi32>,
    %slice3A_62 = vector.extract_strided_slice %get3A_1 {offsets = [0, 7], sizes = [256, 1], strides = [1, 1]} : vector<256x64xi8> to vector<256x1xi8>
    %eq3A_63 = vector.broadcast %slice3A_62 : vector<256x1xi8> to vector<256x128xi8>
    %eq3A_64 = arith.cmpi eq, %iota3A, %eq3A_63 : vector<256x128xi8>
    %swap3A_65 = arith.constant 0 : index
    %swap3A_66 = arith.constant 896 : index
    %swap3A_67 = vector.load %arg2[%swap3A_65, %swap3A_66] : memref<256x8192xi32, #tpu.memory_space<vmem>>, vector<256x128xi32>
    %swap3A_68 = arith.extui %eq3A_64 : vector<256x128xi1> to vector<256x128xi32>
    %swap3A_69 = arith.constant dense<0> : vector<256x128xi32>
    %swap3A_70 = arith.cmpi ne, %swap3A_67, %swap3A_69 : vector<256x128xi32>
    tpu.vector_store %arg2[%swap3A_65, %swap3A_66], %swap3A_68 {strides = array<i32>} : memref<256x8192xi32, #tpu.memory_space<vmem>>, vector<256x128xi32>,
    %slice3A_71 = vector.extract_strided_slice %get3A_1 {offsets = [0, 8], sizes = [256, 1], strides = [1, 1]} : vector<256x64xi8> to vector<256x1xi8>
    %eq3A_72 = vector.broadcast %slice3A_71 : vector<256x1xi8> to vector<256x128xi8>
    %eq3A_73 = arith.cmpi eq, %iota3A, %eq3A_72 : vector<256x128xi8>
    %swap3A_74 = arith.constant 0 : index
    %swap3A_75 = arith.constant 1024 : index
    %swap3A_76 = vector.load %arg2[%swap3A_74, %swap3A_75] : memref<256x8192xi32, #tpu.memory_space<vmem>>, vector<256x128xi32>
    %swap3A_77 = arith.extui %eq3A_73 : vector<256x128xi1> to vector<256x128xi32>
    %swap3A_78 = arith.constant dense<0> : vector<256x128xi32>
    %swap3A_79 = arith.cmpi ne, %swap3A_76, %swap3A_78 : vector<256x128xi32>
    tpu.vector_store %arg2[%swap3A_74, %swap3A_75], %swap3A_77 {strides = array<i32>} : memref<256x8192xi32, #tpu.memory_space<vmem>>, vector<256x128xi32>,
    %slice3A_80 = vector.extract_strided_slice %get3A_1 {offsets = [0, 9], sizes = [256, 1], strides = [1, 1]} : vector<256x64xi8> to vector<256x1xi8>
    %eq3A_81 = vector.broadcast %slice3A_80 : vector<256x1xi8> to vector<256x128xi8>
    %eq3A_82 = arith.cmpi eq, %iota3A, %eq3A_81 : vector<256x128xi8>
    %swap3A_83 = arith.constant 0 : index
    %swap3A_84 = arith.constant 1152 : index
    %swap3A_85 = vector.load %arg2[%swap3A_83, %swap3A_84] : memref<256x8192xi32, #tpu.memory_space<vmem>>, vector<256x128xi32>
    %swap3A_86 = arith.extui %eq3A_82 : vector<256x128xi1> to vector<256x128xi32>
    %swap3A_87 = arith.constant dense<0> : vector<256x128xi32>
    %swap3A_88 = arith.cmpi ne, %swap3A_85, %swap3A_87 : vector<256x128xi32>
    tpu.vector_store %arg2[%swap3A_83, %swap3A_84], %swap3A_86 {strides = array<i32>} : memref<256x8192xi32, #tpu.memory_space<vmem>>, vector<256x128xi32>,
    %slice3A_89 = vector.extract_strided_slice %get3A_1 {offsets = [0, 10], sizes = [256, 1], strides = [1, 1]} : vector<256x64xi8> to vector<256x1xi8>
    %eq3A_90 = vector.broadcast %slice3A_89 : vector<256x1xi8> to vector<256x128xi8>
    %eq3A_91 = arith.cmpi eq, %iota3A, %eq3A_90 : vector<256x128xi8>
    %swap3A_92 = arith.constant 0 : index
    %swap3A_93 = arith.constant 1280 : index
    %swap3A_94 = vector.load %arg2[%swap3A_92, %swap3A_93] : memref<256x8192xi32, #tpu.memory_space<vmem>>, vector<256x128xi32>
    %swap3A_95 = arith.extui %eq3A_91 : vector<256x128xi1> to vector<256x128xi32>
    %swap3A_96 = arith.constant dense<0> : vector<256x128xi32>
    %swap3A_97 = arith.cmpi ne, %swap3A_94, %swap3A_96 : vector<256x128xi32>
    tpu.vector_store %arg2[%swap3A_92, %swap3A_93], %swap3A_95 {strides = array<i32>} : memref<256x8192xi32, #tpu.memory_space<vmem>>, vector<256x128xi32>,
    %slice3A_98 = vector.extract_strided_slice %get3A_1 {offsets = [0, 11], sizes = [256, 1], strides = [1, 1]} : vector<256x64xi8> to vector<256x1xi8>
    %eq3A_99 = vector.broadcast %slice3A_98 : vector<256x1xi8> to vector<256x128xi8>
    %eq3A_100 = arith.cmpi eq, %iota3A, %eq3A_99 : vector<256x128xi8>
    %swap3A_101 = arith.constant 0 : index
    %swap3A_102 = arith.constant 1408 : index
    %swap3A_103 = vector.load %arg2[%swap3A_101, %swap3A_102] : memref<256x8192xi32, #tpu.memory_space<vmem>>, vector<256x128xi32>
    %swap3A_104 = arith.extui %eq3A_100 : vector<256x128xi1> to vector<256x128xi32>
    %swap3A_105 = arith.constant dense<0> : vector<256x128xi32>
    %swap3A_106 = arith.cmpi ne, %swap3A_103, %swap3A_105 : vector<256x128xi32>
    tpu.vector_store %arg2[%swap3A_101, %swap3A_102], %swap3A_104 {strides = array<i32>} : memref<256x8192xi32, #tpu.memory_space<vmem>>, vector<256x128xi32>,
    %slice3A_107 = vector.extract_strided_slice %get3A_1 {offsets = [0, 12], sizes = [256, 1], strides = [1, 1]} : vector<256x64xi8> to vector<256x1xi8>
    %eq3A_108 = vector.broadcast %slice3A_107 : vector<256x1xi8> to vector<256x128xi8>
    %eq3A_109 = arith.cmpi eq, %iota3A, %eq3A_108 : vector<256x128xi8>
    %swap3A_110 = arith.constant 0 : index
    %swap3A_111 = arith.constant 1536 : index
    %swap3A_112 = vector.load %arg2[%swap3A_110, %swap3A_111] : memref<256x8192xi32, #tpu.memory_space<vmem>>, vector<256x128xi32>
    %swap3A_113 = arith.extui %eq3A_109 : vector<256x128xi1> to vector<256x128xi32>
    %swap3A_114 = arith.constant dense<0> : vector<256x128xi32>
    %swap3A_115 = arith.cmpi ne, %swap3A_112, %swap3A_114 : vector<256x128xi32>
    tpu.vector_store %arg2[%swap3A_110, %swap3A_111], %swap3A_113 {strides = array<i32>} : memref<256x8192xi32, #tpu.memory_space<vmem>>, vector<256x128xi32>,
    %slice3A_116 = vector.extract_strided_slice %get3A_1 {offsets = [0, 13], sizes = [256, 1], strides = [1, 1]} : vector<256x64xi8> to vector<256x1xi8>
    %eq3A_117 = vector.broadcast %slice3A_116 : vector<256x1xi8> to vector<256x128xi8>
    %eq3A_118 = arith.cmpi eq, %iota3A, %eq3A_117 : vector<256x128xi8>
    %swap3A_119 = arith.constant 0 : index
    %swap3A_120 = arith.constant 1664 : index
    %swap3A_121 = vector.load %arg2[%swap3A_119, %swap3A_120] : memref<256x8192xi32, #tpu.memory_space<vmem>>, vector<256x128xi32>
    %swap3A_122 = arith.extui %eq3A_118 : vector<256x128xi1> to vector<256x128xi32>
    %swap3A_123 = arith.constant dense<0> : vector<256x128xi32>
    %swap3A_124 = arith.cmpi ne, %swap3A_121, %swap3A_123 : vector<256x128xi32>
    tpu.vector_store %arg2[%swap3A_119, %swap3A_120], %swap3A_122 {strides = array<i32>} : memref<256x8192xi32, #tpu.memory_space<vmem>>, vector<256x128xi32>,
    %slice3A_125 = vector.extract_strided_slice %get3A_1 {offsets = [0, 14], sizes = [256, 1], strides = [1, 1]} : vector<256x64xi8> to vector<256x1xi8>
    %eq3A_126 = vector.broadcast %slice3A_125 : vector<256x1xi8> to vector<256x128xi8>
    %eq3A_127 = arith.cmpi eq, %iota3A, %eq3A_126 : vector<256x128xi8>
    %swap3A_128 = arith.constant 0 : index
    %swap3A_129 = arith.constant 1792 : index
    %swap3A_130 = vector.load %arg2[%swap3A_128, %swap3A_129] : memref<256x8192xi32, #tpu.memory_space<vmem>>, vector<256x128xi32>
    %swap3A_131 = arith.extui %eq3A_127 : vector<256x128xi1> to vector<256x128xi32>
    %swap3A_132 = arith.constant dense<0> : vector<256x128xi32>
    %swap3A_133 = arith.cmpi ne, %swap3A_130, %swap3A_132 : vector<256x128xi32>
    tpu.vector_store %arg2[%swap3A_128, %swap3A_129], %swap3A_131 {strides = array<i32>} : memref<256x8192xi32, #tpu.memory_space<vmem>>, vector<256x128xi32>,
    %slice3A_134 = vector.extract_strided_slice %get3A_1 {offsets = [0, 15], sizes = [256, 1], strides = [1, 1]} : vector<256x64xi8> to vector<256x1xi8>
    %eq3A_135 = vector.broadcast %slice3A_134 : vector<256x1xi8> to vector<256x128xi8>
    %eq3A_136 = arith.cmpi eq, %iota3A, %eq3A_135 : vector<256x128xi8>
    %swap3A_137 = arith.constant 0 : index
    %swap3A_138 = arith.constant 1920 : index
    %swap3A_139 = vector.load %arg2[%swap3A_137, %swap3A_138] : memref<256x8192xi32, #tpu.memory_space<vmem>>, vector<256x128xi32>
    %swap3A_140 = arith.extui %eq3A_136 : vector<256x128xi1> to vector<256x128xi32>
    %swap3A_141 = arith.constant dense<0> : vector<256x128xi32>
    %swap3A_142 = arith.cmpi ne, %swap3A_139, %swap3A_141 : vector<256x128xi32>
    tpu.vector_store %arg2[%swap3A_137, %swap3A_138], %swap3A_140 {strides = array<i32>} : memref<256x8192xi32, #tpu.memory_space<vmem>>, vector<256x128xi32>,
    %slice3A_143 = vector.extract_strided_slice %get3A_1 {offsets = [0, 16], sizes = [256, 1], strides = [1, 1]} : vector<256x64xi8> to vector<256x1xi8>
    %eq3A_144 = vector.broadcast %slice3A_143 : vector<256x1xi8> to vector<256x128xi8>
    %eq3A_145 = arith.cmpi eq, %iota3A, %eq3A_144 : vector<256x128xi8>
    %swap3A_146 = arith.constant 0 : index
    %swap3A_147 = arith.constant 2048 : index
    %swap3A_148 = vector.load %arg2[%swap3A_146, %swap3A_147] : memref<256x8192xi32, #tpu.memory_space<vmem>>, vector<256x128xi32>
    %swap3A_149 = arith.extui %eq3A_145 : vector<256x128xi1> to vector<256x128xi32>
    %swap3A_150 = arith.constant dense<0> : vector<256x128xi32>
    %swap3A_151 = arith.cmpi ne, %swap3A_148, %swap3A_150 : vector<256x128xi32>
    tpu.vector_store %arg2[%swap3A_146, %swap3A_147], %swap3A_149 {strides = array<i32>} : memref<256x8192xi32, #tpu.memory_space<vmem>>, vector<256x128xi32>,
    %slice3A_152 = vector.extract_strided_slice %get3A_1 {offsets = [0, 17], sizes = [256, 1], strides = [1, 1]} : vector<256x64xi8> to vector<256x1xi8>
    %eq3A_153 = vector.broadcast %slice3A_152 : vector<256x1xi8> to vector<256x128xi8>
    %eq3A_154 = arith.cmpi eq, %iota3A, %eq3A_153 : vector<256x128xi8>
    %swap3A_155 = arith.constant 0 : index
    %swap3A_156 = arith.constant 2176 : index
    %swap3A_157 = vector.load %arg2[%swap3A_155, %swap3A_156] : memref<256x8192xi32, #tpu.memory_space<vmem>>, vector<256x128xi32>
    %swap3A_158 = arith.extui %eq3A_154 : vector<256x128xi1> to vector<256x128xi32>
    %swap3A_159 = arith.constant dense<0> : vector<256x128xi32>
    %swap3A_160 = arith.cmpi ne, %swap3A_157, %swap3A_159 : vector<256x128xi32>
    tpu.vector_store %arg2[%swap3A_155, %swap3A_156], %swap3A_158 {strides = array<i32>} : memref<256x8192xi32, #tpu.memory_space<vmem>>, vector<256x128xi32>,
    %slice3A_161 = vector.extract_strided_slice %get3A_1 {offsets = [0, 18], sizes = [256, 1], strides = [1, 1]} : vector<256x64xi8> to vector<256x1xi8>
    %eq3A_162 = vector.broadcast %slice3A_161 : vector<256x1xi8> to vector<256x128xi8>
    %eq3A_163 = arith.cmpi eq, %iota3A, %eq3A_162 : vector<256x128xi8>
    %swap3A_164 = arith.constant 0 : index
    %swap3A_165 = arith.constant 2304 : index
    %swap3A_166 = vector.load %arg2[%swap3A_164, %swap3A_165] : memref<256x8192xi32, #tpu.memory_space<vmem>>, vector<256x128xi32>
    %swap3A_167 = arith.extui %eq3A_163 : vector<256x128xi1> to vector<256x128xi32>
    %swap3A_168 = arith.constant dense<0> : vector<256x128xi32>
    %swap3A_169 = arith.cmpi ne, %swap3A_166, %swap3A_168 : vector<256x128xi32>
    tpu.vector_store %arg2[%swap3A_164, %swap3A_165], %swap3A_167 {strides = array<i32>} : memref<256x8192xi32, #tpu.memory_space<vmem>>, vector<256x128xi32>,
    %slice3A_170 = vector.extract_strided_slice %get3A_1 {offsets = [0, 19], sizes = [256, 1], strides = [1, 1]} : vector<256x64xi8> to vector<256x1xi8>
    %eq3A_171 = vector.broadcast %slice3A_170 : vector<256x1xi8> to vector<256x128xi8>
    %eq3A_172 = arith.cmpi eq, %iota3A, %eq3A_171 : vector<256x128xi8>
    %swap3A_173 = arith.constant 0 : index
    %swap3A_174 = arith.constant 2432 : index
    %swap3A_175 = vector.load %arg2[%swap3A_173, %swap3A_174] : memref<256x8192xi32, #tpu.memory_space<vmem>>, vector<256x128xi32>
    %swap3A_176 = arith.extui %eq3A_172 : vector<256x128xi1> to vector<256x128xi32>
    %swap3A_177 = arith.constant dense<0> : vector<256x128xi32>
    %swap3A_178 = arith.cmpi ne, %swap3A_175, %swap3A_177 : vector<256x128xi32>
    tpu.vector_store %arg2[%swap3A_173, %swap3A_174], %swap3A_176 {strides = array<i32>} : memref<256x8192xi32, #tpu.memory_space<vmem>>, vector<256x128xi32>,
    %slice3A_179 = vector.extract_strided_slice %get3A_1 {offsets = [0, 20], sizes = [256, 1], strides = [1, 1]} : vector<256x64xi8> to vector<256x1xi8>
    %eq3A_180 = vector.broadcast %slice3A_179 : vector<256x1xi8> to vector<256x128xi8>
    %eq3A_181 = arith.cmpi eq, %iota3A, %eq3A_180 : vector<256x128xi8>
    %swap3A_182 = arith.constant 0 : index
    %swap3A_183 = arith.constant 2560 : index
    %swap3A_184 = vector.load %arg2[%swap3A_182, %swap3A_183] : memref<256x8192xi32, #tpu.memory_space<vmem>>, vector<256x128xi32>
    %swap3A_185 = arith.extui %eq3A_181 : vector<256x128xi1> to vector<256x128xi32>
    %swap3A_186 = arith.constant dense<0> : vector<256x128xi32>
    %swap3A_187 = arith.cmpi ne, %swap3A_184, %swap3A_186 : vector<256x128xi32>
    tpu.vector_store %arg2[%swap3A_182, %swap3A_183], %swap3A_185 {strides = array<i32>} : memref<256x8192xi32, #tpu.memory_space<vmem>>, vector<256x128xi32>,
    %slice3A_188 = vector.extract_strided_slice %get3A_1 {offsets = [0, 21], sizes = [256, 1], strides = [1, 1]} : vector<256x64xi8> to vector<256x1xi8>
    %eq3A_189 = vector.broadcast %slice3A_188 : vector<256x1xi8> to vector<256x128xi8>
    %eq3A_190 = arith.cmpi eq, %iota3A, %eq3A_189 : vector<256x128xi8>
    %swap3A_191 = arith.constant 0 : index
    %swap3A_192 = arith.constant 2688 : index
    %swap3A_193 = vector.load %arg2[%swap3A_191, %swap3A_192] : memref<256x8192xi32, #tpu.memory_space<vmem>>, vector<256x128xi32>
    %swap3A_194 = arith.extui %eq3A_190 : vector<256x128xi1> to vector<256x128xi32>
    %swap3A_195 = arith.constant dense<0> : vector<256x128xi32>
    %swap3A_196 = arith.cmpi ne, %swap3A_193, %swap3A_195 : vector<256x128xi32>
    tpu.vector_store %arg2[%swap3A_191, %swap3A_192], %swap3A_194 {strides = array<i32>} : memref<256x8192xi32, #tpu.memory_space<vmem>>, vector<256x128xi32>,
    %slice3A_197 = vector.extract_strided_slice %get3A_1 {offsets = [0, 22], sizes = [256, 1], strides = [1, 1]} : vector<256x64xi8> to vector<256x1xi8>
    %eq3A_198 = vector.broadcast %slice3A_197 : vector<256x1xi8> to vector<256x128xi8>
    %eq3A_199 = arith.cmpi eq, %iota3A, %eq3A_198 : vector<256x128xi8>
    %swap3A_200 = arith.constant 0 : index
    %swap3A_201 = arith.constant 2816 : index
    %swap3A_202 = vector.load %arg2[%swap3A_200, %swap3A_201] : memref<256x8192xi32, #tpu.memory_space<vmem>>, vector<256x128xi32>
    %swap3A_203 = arith.extui %eq3A_199 : vector<256x128xi1> to vector<256x128xi32>
    %swap3A_204 = arith.constant dense<0> : vector<256x128xi32>
    %swap3A_205 = arith.cmpi ne, %swap3A_202, %swap3A_204 : vector<256x128xi32>
    tpu.vector_store %arg2[%swap3A_200, %swap3A_201], %swap3A_203 {strides = array<i32>} : memref<256x8192xi32, #tpu.memory_space<vmem>>, vector<256x128xi32>,
    %slice3A_206 = vector.extract_strided_slice %get3A_1 {offsets = [0, 23], sizes = [256, 1], strides = [1, 1]} : vector<256x64xi8> to vector<256x1xi8>
    %eq3A_207 = vector.broadcast %slice3A_206 : vector<256x1xi8> to vector<256x128xi8>
    %eq3A_208 = arith.cmpi eq, %iota3A, %eq3A_207 : vector<256x128xi8>
    %swap3A_209 = arith.constant 0 : index
    %swap3A_210 = arith.constant 2944 : index
    %swap3A_211 = vector.load %arg2[%swap3A_209, %swap3A_210] : memref<256x8192xi32, #tpu.memory_space<vmem>>, vector<256x128xi32>
    %swap3A_212 = arith.extui %eq3A_208 : vector<256x128xi1> to vector<256x128xi32>
    %swap3A_213 = arith.constant dense<0> : vector<256x128xi32>
    %swap3A_214 = arith.cmpi ne, %swap3A_211, %swap3A_213 : vector<256x128xi32>
    tpu.vector_store %arg2[%swap3A_209, %swap3A_210], %swap3A_212 {strides = array<i32>} : memref<256x8192xi32, #tpu.memory_space<vmem>>, vector<256x128xi32>,
    %slice3A_215 = vector.extract_strided_slice %get3A_1 {offsets = [0, 24], sizes = [256, 1], strides = [1, 1]} : vector<256x64xi8> to vector<256x1xi8>
    %eq3A_216 = vector.broadcast %slice3A_215 : vector<256x1xi8> to vector<256x128xi8>
    %eq3A_217 = arith.cmpi eq, %iota3A, %eq3A_216 : vector<256x128xi8>
    %swap3A_218 = arith.constant 0 : index
    %swap3A_219 = arith.constant 3072 : index
    %swap3A_220 = vector.load %arg2[%swap3A_218, %swap3A_219] : memref<256x8192xi32, #tpu.memory_space<vmem>>, vector<256x128xi32>
    %swap3A_221 = arith.extui %eq3A_217 : vector<256x128xi1> to vector<256x128xi32>
    %swap3A_222 = arith.constant dense<0> : vector<256x128xi32>
    %swap3A_223 = arith.cmpi ne, %swap3A_220, %swap3A_222 : vector<256x128xi32>
    tpu.vector_store %arg2[%swap3A_218, %swap3A_219], %swap3A_221 {strides = array<i32>} : memref<256x8192xi32, #tpu.memory_space<vmem>>, vector<256x128xi32>,
    %slice3A_224 = vector.extract_strided_slice %get3A_1 {offsets = [0, 25], sizes = [256, 1], strides = [1, 1]} : vector<256x64xi8> to vector<256x1xi8>
    %eq3A_225 = vector.broadcast %slice3A_224 : vector<256x1xi8> to vector<256x128xi8>
    %eq3A_226 = arith.cmpi eq, %iota3A, %eq3A_225 : vector<256x128xi8>
    %swap3A_227 = arith.constant 0 : index
    %swap3A_228 = arith.constant 3200 : index
    %swap3A_229 = vector.load %arg2[%swap3A_227, %swap3A_228] : memref<256x8192xi32, #tpu.memory_space<vmem>>, vector<256x128xi32>
    %swap3A_230 = arith.extui %eq3A_226 : vector<256x128xi1> to vector<256x128xi32>
    %swap3A_231 = arith.constant dense<0> : vector<256x128xi32>
    %swap3A_232 = arith.cmpi ne, %swap3A_229, %swap3A_231 : vector<256x128xi32>
    tpu.vector_store %arg2[%swap3A_227, %swap3A_228], %swap3A_230 {strides = array<i32>} : memref<256x8192xi32, #tpu.memory_space<vmem>>, vector<256x128xi32>,
    %slice3A_233 = vector.extract_strided_slice %get3A_1 {offsets = [0, 26], sizes = [256, 1], strides = [1, 1]} : vector<256x64xi8> to vector<256x1xi8>
    %eq3A_234 = vector.broadcast %slice3A_233 : vector<256x1xi8> to vector<256x128xi8>
    %eq3A_235 = arith.cmpi eq, %iota3A, %eq3A_234 : vector<256x128xi8>
    %swap3A_236 = arith.constant 0 : index
    %swap3A_237 = arith.constant 3328 : index
    %swap3A_238 = vector.load %arg2[%swap3A_236, %swap3A_237] : memref<256x8192xi32, #tpu.memory_space<vmem>>, vector<256x128xi32>
    %swap3A_239 = arith.extui %eq3A_235 : vector<256x128xi1> to vector<256x128xi32>
    %swap3A_240 = arith.constant dense<0> : vector<256x128xi32>
    %swap3A_241 = arith.cmpi ne, %swap3A_238, %swap3A_240 : vector<256x128xi32>
    tpu.vector_store %arg2[%swap3A_236, %swap3A_237], %swap3A_239 {strides = array<i32>} : memref<256x8192xi32, #tpu.memory_space<vmem>>, vector<256x128xi32>,
    %slice3A_242 = vector.extract_strided_slice %get3A_1 {offsets = [0, 27], sizes = [256, 1], strides = [1, 1]} : vector<256x64xi8> to vector<256x1xi8>
    %eq3A_243 = vector.broadcast %slice3A_242 : vector<256x1xi8> to vector<256x128xi8>
    %eq3A_244 = arith.cmpi eq, %iota3A, %eq3A_243 : vector<256x128xi8>
    %swap3A_245 = arith.constant 0 : index
    %swap3A_246 = arith.constant 3456 : index
    %swap3A_247 = vector.load %arg2[%swap3A_245, %swap3A_246] : memref<256x8192xi32, #tpu.memory_space<vmem>>, vector<256x128xi32>
    %swap3A_248 = arith.extui %eq3A_244 : vector<256x128xi1> to vector<256x128xi32>
    %swap3A_249 = arith.constant dense<0> : vector<256x128xi32>
    %swap3A_250 = arith.cmpi ne, %swap3A_247, %swap3A_249 : vector<256x128xi32>
    tpu.vector_store %arg2[%swap3A_245, %swap3A_246], %swap3A_248 {strides = array<i32>} : memref<256x8192xi32, #tpu.memory_space<vmem>>, vector<256x128xi32>,
    %slice3A_251 = vector.extract_strided_slice %get3A_1 {offsets = [0, 28], sizes = [256, 1], strides = [1, 1]} : vector<256x64xi8> to vector<256x1xi8>
    %eq3A_252 = vector.broadcast %slice3A_251 : vector<256x1xi8> to vector<256x128xi8>
    %eq3A_253 = arith.cmpi eq, %iota3A, %eq3A_252 : vector<256x128xi8>
    %swap3A_254 = arith.constant 0 : index
    %swap3A_255 = arith.constant 3584 : index
    %swap3A_256 = vector.load %arg2[%swap3A_254, %swap3A_255] : memref<256x8192xi32, #tpu.memory_space<vmem>>, vector<256x128xi32>
    %swap3A_257 = arith.extui %eq3A_253 : vector<256x128xi1> to vector<256x128xi32>
    %swap3A_258 = arith.constant dense<0> : vector<256x128xi32>
    %swap3A_259 = arith.cmpi ne, %swap3A_256, %swap3A_258 : vector<256x128xi32>
    tpu.vector_store %arg2[%swap3A_254, %swap3A_255], %swap3A_257 {strides = array<i32>} : memref<256x8192xi32, #tpu.memory_space<vmem>>, vector<256x128xi32>,
    %slice3A_260 = vector.extract_strided_slice %get3A_1 {offsets = [0, 29], sizes = [256, 1], strides = [1, 1]} : vector<256x64xi8> to vector<256x1xi8>
    %eq3A_261 = vector.broadcast %slice3A_260 : vector<256x1xi8> to vector<256x128xi8>
    %eq3A_262 = arith.cmpi eq, %iota3A, %eq3A_261 : vector<256x128xi8>
    %swap3A_263 = arith.constant 0 : index
    %swap3A_264 = arith.constant 3712 : index
    %swap3A_265 = vector.load %arg2[%swap3A_263, %swap3A_264] : memref<256x8192xi32, #tpu.memory_space<vmem>>, vector<256x128xi32>
    %swap3A_266 = arith.extui %eq3A_262 : vector<256x128xi1> to vector<256x128xi32>
    %swap3A_267 = arith.constant dense<0> : vector<256x128xi32>
    %swap3A_268 = arith.cmpi ne, %swap3A_265, %swap3A_267 : vector<256x128xi32>
    tpu.vector_store %arg2[%swap3A_263, %swap3A_264], %swap3A_266 {strides = array<i32>} : memref<256x8192xi32, #tpu.memory_space<vmem>>, vector<256x128xi32>,
    %slice3A_269 = vector.extract_strided_slice %get3A_1 {offsets = [0, 30], sizes = [256, 1], strides = [1, 1]} : vector<256x64xi8> to vector<256x1xi8>
    %eq3A_270 = vector.broadcast %slice3A_269 : vector<256x1xi8> to vector<256x128xi8>
    %eq3A_271 = arith.cmpi eq, %iota3A, %eq3A_270 : vector<256x128xi8>
    %swap3A_272 = arith.constant 0 : index
    %swap3A_273 = arith.constant 3840 : index
    %swap3A_274 = vector.load %arg2[%swap3A_272, %swap3A_273] : memref<256x8192xi32, #tpu.memory_space<vmem>>, vector<256x128xi32>
    %swap3A_275 = arith.extui %eq3A_271 : vector<256x128xi1> to vector<256x128xi32>
    %swap3A_276 = arith.constant dense<0> : vector<256x128xi32>
    %swap3A_277 = arith.cmpi ne, %swap3A_274, %swap3A_276 : vector<256x128xi32>
    tpu.vector_store %arg2[%swap3A_272, %swap3A_273], %swap3A_275 {strides = array<i32>} : memref<256x8192xi32, #tpu.memory_space<vmem>>, vector<256x128xi32>,
    %slice3A_278 = vector.extract_strided_slice %get3A_1 {offsets = [0, 31], sizes = [256, 1], strides = [1, 1]} : vector<256x64xi8> to vector<256x1xi8>
    %eq3A_279 = vector.broadcast %slice3A_278 : vector<256x1xi8> to vector<256x128xi8>
    %eq3A_280 = arith.cmpi eq, %iota3A, %eq3A_279 : vector<256x128xi8>
    %swap3A_281 = arith.constant 0 : index
    %swap3A_282 = arith.constant 3968 : index
    %swap3A_283 = vector.load %arg2[%swap3A_281, %swap3A_282] : memref<256x8192xi32, #tpu.memory_space<vmem>>, vector<256x128xi32>
    %swap3A_284 = arith.extui %eq3A_280 : vector<256x128xi1> to vector<256x128xi32>
    %swap3A_285 = arith.constant dense<0> : vector<256x128xi32>
    %swap3A_286 = arith.cmpi ne, %swap3A_283, %swap3A_285 : vector<256x128xi32>
    tpu.vector_store %arg2[%swap3A_281, %swap3A_282], %swap3A_284 {strides = array<i32>} : memref<256x8192xi32, #tpu.memory_space<vmem>>, vector<256x128xi32>,
    %slice3A_287 = vector.extract_strided_slice %get3A_1 {offsets = [0, 32], sizes = [256, 1], strides = [1, 1]} : vector<256x64xi8> to vector<256x1xi8>
    %eq3A_288 = vector.broadcast %slice3A_287 : vector<256x1xi8> to vector<256x128xi8>
    %eq3A_289 = arith.cmpi eq, %iota3A, %eq3A_288 : vector<256x128xi8>
    %swap3A_290 = arith.constant 0 : index
    %swap3A_291 = arith.constant 4096 : index
    %swap3A_292 = vector.load %arg2[%swap3A_290, %swap3A_291] : memref<256x8192xi32, #tpu.memory_space<vmem>>, vector<256x128xi32>
    %swap3A_293 = arith.extui %eq3A_289 : vector<256x128xi1> to vector<256x128xi32>
    %swap3A_294 = arith.constant dense<0> : vector<256x128xi32>
    %swap3A_295 = arith.cmpi ne, %swap3A_292, %swap3A_294 : vector<256x128xi32>
    tpu.vector_store %arg2[%swap3A_290, %swap3A_291], %swap3A_293 {strides = array<i32>} : memref<256x8192xi32, #tpu.memory_space<vmem>>, vector<256x128xi32>,
    %slice3A_296 = vector.extract_strided_slice %get3A_1 {offsets = [0, 33], sizes = [256, 1], strides = [1, 1]} : vector<256x64xi8> to vector<256x1xi8>
    %eq3A_297 = vector.broadcast %slice3A_296 : vector<256x1xi8> to vector<256x128xi8>
    %eq3A_298 = arith.cmpi eq, %iota3A, %eq3A_297 : vector<256x128xi8>
    %swap3A_299 = arith.constant 0 : index
    %swap3A_300 = arith.constant 4224 : index
    %swap3A_301 = vector.load %arg2[%swap3A_299, %swap3A_300] : memref<256x8192xi32, #tpu.memory_space<vmem>>, vector<256x128xi32>
    %swap3A_302 = arith.extui %eq3A_298 : vector<256x128xi1> to vector<256x128xi32>
    %swap3A_303 = arith.constant dense<0> : vector<256x128xi32>
    %swap3A_304 = arith.cmpi ne, %swap3A_301, %swap3A_303 : vector<256x128xi32>
    tpu.vector_store %arg2[%swap3A_299, %swap3A_300], %swap3A_302 {strides = array<i32>} : memref<256x8192xi32, #tpu.memory_space<vmem>>, vector<256x128xi32>,
    %slice3A_305 = vector.extract_strided_slice %get3A_1 {offsets = [0, 34], sizes = [256, 1], strides = [1, 1]} : vector<256x64xi8> to vector<256x1xi8>
    %eq3A_306 = vector.broadcast %slice3A_305 : vector<256x1xi8> to vector<256x128xi8>
    %eq3A_307 = arith.cmpi eq, %iota3A, %eq3A_306 : vector<256x128xi8>
    %swap3A_308 = arith.constant 0 : index
    %swap3A_309 = arith.constant 4352 : index
    %swap3A_310 = vector.load %arg2[%swap3A_308, %swap3A_309] : memref<256x8192xi32, #tpu.memory_space<vmem>>, vector<256x128xi32>
    %swap3A_311 = arith.extui %eq3A_307 : vector<256x128xi1> to vector<256x128xi32>
    %swap3A_312 = arith.constant dense<0> : vector<256x128xi32>
    %swap3A_313 = arith.cmpi ne, %swap3A_310, %swap3A_312 : vector<256x128xi32>
    tpu.vector_store %arg2[%swap3A_308, %swap3A_309], %swap3A_311 {strides = array<i32>} : memref<256x8192xi32, #tpu.memory_space<vmem>>, vector<256x128xi32>,
    %slice3A_314 = vector.extract_strided_slice %get3A_1 {offsets = [0, 35], sizes = [256, 1], strides = [1, 1]} : vector<256x64xi8> to vector<256x1xi8>
    %eq3A_315 = vector.broadcast %slice3A_314 : vector<256x1xi8> to vector<256x128xi8>
    %eq3A_316 = arith.cmpi eq, %iota3A, %eq3A_315 : vector<256x128xi8>
    %swap3A_317 = arith.constant 0 : index
    %swap3A_318 = arith.constant 4480 : index
    %swap3A_319 = vector.load %arg2[%swap3A_317, %swap3A_318] : memref<256x8192xi32, #tpu.memory_space<vmem>>, vector<256x128xi32>
    %swap3A_320 = arith.extui %eq3A_316 : vector<256x128xi1> to vector<256x128xi32>
    %swap3A_321 = arith.constant dense<0> : vector<256x128xi32>
    %swap3A_322 = arith.cmpi ne, %swap3A_319, %swap3A_321 : vector<256x128xi32>
    tpu.vector_store %arg2[%swap3A_317, %swap3A_318], %swap3A_320 {strides = array<i32>} : memref<256x8192xi32, #tpu.memory_space<vmem>>, vector<256x128xi32>,
    %slice3A_323 = vector.extract_strided_slice %get3A_1 {offsets = [0, 36], sizes = [256, 1], strides = [1, 1]} : vector<256x64xi8> to vector<256x1xi8>
    %eq3A_324 = vector.broadcast %slice3A_323 : vector<256x1xi8> to vector<256x128xi8>
    %eq3A_325 = arith.cmpi eq, %iota3A, %eq3A_324 : vector<256x128xi8>
    %swap3A_326 = arith.constant 0 : index
    %swap3A_327 = arith.constant 4608 : index
    %swap3A_328 = vector.load %arg2[%swap3A_326, %swap3A_327] : memref<256x8192xi32, #tpu.memory_space<vmem>>, vector<256x128xi32>
    %swap3A_329 = arith.extui %eq3A_325 : vector<256x128xi1> to vector<256x128xi32>
    %swap3A_330 = arith.constant dense<0> : vector<256x128xi32>
    %swap3A_331 = arith.cmpi ne, %swap3A_328, %swap3A_330 : vector<256x128xi32>
    tpu.vector_store %arg2[%swap3A_326, %swap3A_327], %swap3A_329 {strides = array<i32>} : memref<256x8192xi32, #tpu.memory_space<vmem>>, vector<256x128xi32>,
    %slice3A_332 = vector.extract_strided_slice %get3A_1 {offsets = [0, 37], sizes = [256, 1], strides = [1, 1]} : vector<256x64xi8> to vector<256x1xi8>
    %eq3A_333 = vector.broadcast %slice3A_332 : vector<256x1xi8> to vector<256x128xi8>
    %eq3A_334 = arith.cmpi eq, %iota3A, %eq3A_333 : vector<256x128xi8>
    %swap3A_335 = arith.constant 0 : index
    %swap3A_336 = arith.constant 4736 : index
    %swap3A_337 = vector.load %arg2[%swap3A_335, %swap3A_336] : memref<256x8192xi32, #tpu.memory_space<vmem>>, vector<256x128xi32>
    %swap3A_338 = arith.extui %eq3A_334 : vector<256x128xi1> to vector<256x128xi32>
    %swap3A_339 = arith.constant dense<0> : vector<256x128xi32>
    %swap3A_340 = arith.cmpi ne, %swap3A_337, %swap3A_339 : vector<256x128xi32>
    tpu.vector_store %arg2[%swap3A_335, %swap3A_336], %swap3A_338 {strides = array<i32>} : memref<256x8192xi32, #tpu.memory_space<vmem>>, vector<256x128xi32>,
    %slice3A_341 = vector.extract_strided_slice %get3A_1 {offsets = [0, 38], sizes = [256, 1], strides = [1, 1]} : vector<256x64xi8> to vector<256x1xi8>
    %eq3A_342 = vector.broadcast %slice3A_341 : vector<256x1xi8> to vector<256x128xi8>
    %eq3A_343 = arith.cmpi eq, %iota3A, %eq3A_342 : vector<256x128xi8>
    %swap3A_344 = arith.constant 0 : index
    %swap3A_345 = arith.constant 4864 : index
    %swap3A_346 = vector.load %arg2[%swap3A_344, %swap3A_345] : memref<256x8192xi32, #tpu.memory_space<vmem>>, vector<256x128xi32>
    %swap3A_347 = arith.extui %eq3A_343 : vector<256x128xi1> to vector<256x128xi32>
    %swap3A_348 = arith.constant dense<0> : vector<256x128xi32>
    %swap3A_349 = arith.cmpi ne, %swap3A_346, %swap3A_348 : vector<256x128xi32>
    tpu.vector_store %arg2[%swap3A_344, %swap3A_345], %swap3A_347 {strides = array<i32>} : memref<256x8192xi32, #tpu.memory_space<vmem>>, vector<256x128xi32>,
    %slice3A_350 = vector.extract_strided_slice %get3A_1 {offsets = [0, 39], sizes = [256, 1], strides = [1, 1]} : vector<256x64xi8> to vector<256x1xi8>
    %eq3A_351 = vector.broadcast %slice3A_350 : vector<256x1xi8> to vector<256x128xi8>
    %eq3A_352 = arith.cmpi eq, %iota3A, %eq3A_351 : vector<256x128xi8>
    %swap3A_353 = arith.constant 0 : index
    %swap3A_354 = arith.constant 4992 : index
    %swap3A_355 = vector.load %arg2[%swap3A_353, %swap3A_354] : memref<256x8192xi32, #tpu.memory_space<vmem>>, vector<256x128xi32>
    %swap3A_356 = arith.extui %eq3A_352 : vector<256x128xi1> to vector<256x128xi32>
    %swap3A_357 = arith.constant dense<0> : vector<256x128xi32>
    %swap3A_358 = arith.cmpi ne, %swap3A_355, %swap3A_357 : vector<256x128xi32>
    tpu.vector_store %arg2[%swap3A_353, %swap3A_354], %swap3A_356 {strides = array<i32>} : memref<256x8192xi32, #tpu.memory_space<vmem>>, vector<256x128xi32>,
    %slice3A_359 = vector.extract_strided_slice %get3A_1 {offsets = [0, 40], sizes = [256, 1], strides = [1, 1]} : vector<256x64xi8> to vector<256x1xi8>
    %eq3A_360 = vector.broadcast %slice3A_359 : vector<256x1xi8> to vector<256x128xi8>
    %eq3A_361 = arith.cmpi eq, %iota3A, %eq3A_360 : vector<256x128xi8>
    %swap3A_362 = arith.constant 0 : index
    %swap3A_363 = arith.constant 5120 : index
    %swap3A_364 = vector.load %arg2[%swap3A_362, %swap3A_363] : memref<256x8192xi32, #tpu.memory_space<vmem>>, vector<256x128xi32>
    %swap3A_365 = arith.extui %eq3A_361 : vector<256x128xi1> to vector<256x128xi32>
    %swap3A_366 = arith.constant dense<0> : vector<256x128xi32>
    %swap3A_367 = arith.cmpi ne, %swap3A_364, %swap3A_366 : vector<256x128xi32>
    tpu.vector_store %arg2[%swap3A_362, %swap3A_363], %swap3A_365 {strides = array<i32>} : memref<256x8192xi32, #tpu.memory_space<vmem>>, vector<256x128xi32>,
    %slice3A_368 = vector.extract_strided_slice %get3A_1 {offsets = [0, 41], sizes = [256, 1], strides = [1, 1]} : vector<256x64xi8> to vector<256x1xi8>
    %eq3A_369 = vector.broadcast %slice3A_368 : vector<256x1xi8> to vector<256x128xi8>
    %eq3A_370 = arith.cmpi eq, %iota3A, %eq3A_369 : vector<256x128xi8>
    %swap3A_371 = arith.constant 0 : index
    %swap3A_372 = arith.constant 5248 : index
    %swap3A_373 = vector.load %arg2[%swap3A_371, %swap3A_372] : memref<256x8192xi32, #tpu.memory_space<vmem>>, vector<256x128xi32>
    %swap3A_374 = arith.extui %eq3A_370 : vector<256x128xi1> to vector<256x128xi32>
    %swap3A_375 = arith.constant dense<0> : vector<256x128xi32>
    %swap3A_376 = arith.cmpi ne, %swap3A_373, %swap3A_375 : vector<256x128xi32>
    tpu.vector_store %arg2[%swap3A_371, %swap3A_372], %swap3A_374 {strides = array<i32>} : memref<256x8192xi32, #tpu.memory_space<vmem>>, vector<256x128xi32>,
    %slice3A_377 = vector.extract_strided_slice %get3A_1 {offsets = [0, 42], sizes = [256, 1], strides = [1, 1]} : vector<256x64xi8> to vector<256x1xi8>
    %eq3A_378 = vector.broadcast %slice3A_377 : vector<256x1xi8> to vector<256x128xi8>
    %eq3A_379 = arith.cmpi eq, %iota3A, %eq3A_378 : vector<256x128xi8>
    %swap3A_380 = arith.constant 0 : index
    %swap3A_381 = arith.constant 5376 : index
    %swap3A_382 = vector.load %arg2[%swap3A_380, %swap3A_381] : memref<256x8192xi32, #tpu.memory_space<vmem>>, vector<256x128xi32>
    %swap3A_383 = arith.extui %eq3A_379 : vector<256x128xi1> to vector<256x128xi32>
    %swap3A_384 = arith.constant dense<0> : vector<256x128xi32>
    %swap3A_385 = arith.cmpi ne, %swap3A_382, %swap3A_384 : vector<256x128xi32>
    tpu.vector_store %arg2[%swap3A_380, %swap3A_381], %swap3A_383 {strides = array<i32>} : memref<256x8192xi32, #tpu.memory_space<vmem>>, vector<256x128xi32>,
    %slice3A_386 = vector.extract_strided_slice %get3A_1 {offsets = [0, 43], sizes = [256, 1], strides = [1, 1]} : vector<256x64xi8> to vector<256x1xi8>
    %eq3A_387 = vector.broadcast %slice3A_386 : vector<256x1xi8> to vector<256x128xi8>
    %eq3A_388 = arith.cmpi eq, %iota3A, %eq3A_387 : vector<256x128xi8>
    %swap3A_389 = arith.constant 0 : index
    %swap3A_390 = arith.constant 5504 : index
    %swap3A_391 = vector.load %arg2[%swap3A_389, %swap3A_390] : memref<256x8192xi32, #tpu.memory_space<vmem>>, vector<256x128xi32>
    %swap3A_392 = arith.extui %eq3A_388 : vector<256x128xi1> to vector<256x128xi32>
    %swap3A_393 = arith.constant dense<0> : vector<256x128xi32>
    %swap3A_394 = arith.cmpi ne, %swap3A_391, %swap3A_393 : vector<256x128xi32>
    tpu.vector_store %arg2[%swap3A_389, %swap3A_390], %swap3A_392 {strides = array<i32>} : memref<256x8192xi32, #tpu.memory_space<vmem>>, vector<256x128xi32>,
    %slice3A_395 = vector.extract_strided_slice %get3A_1 {offsets = [0, 44], sizes = [256, 1], strides = [1, 1]} : vector<256x64xi8> to vector<256x1xi8>
    %eq3A_396 = vector.broadcast %slice3A_395 : vector<256x1xi8> to vector<256x128xi8>
    %eq3A_397 = arith.cmpi eq, %iota3A, %eq3A_396 : vector<256x128xi8>
    %swap3A_398 = arith.constant 0 : index
    %swap3A_399 = arith.constant 5632 : index
    %swap3A_400 = vector.load %arg2[%swap3A_398, %swap3A_399] : memref<256x8192xi32, #tpu.memory_space<vmem>>, vector<256x128xi32>
    %swap3A_401 = arith.extui %eq3A_397 : vector<256x128xi1> to vector<256x128xi32>
    %swap3A_402 = arith.constant dense<0> : vector<256x128xi32>
    %swap3A_403 = arith.cmpi ne, %swap3A_400, %swap3A_402 : vector<256x128xi32>
    tpu.vector_store %arg2[%swap3A_398, %swap3A_399], %swap3A_401 {strides = array<i32>} : memref<256x8192xi32, #tpu.memory_space<vmem>>, vector<256x128xi32>,
    %slice3A_404 = vector.extract_strided_slice %get3A_1 {offsets = [0, 45], sizes = [256, 1], strides = [1, 1]} : vector<256x64xi8> to vector<256x1xi8>
    %eq3A_405 = vector.broadcast %slice3A_404 : vector<256x1xi8> to vector<256x128xi8>
    %eq3A_406 = arith.cmpi eq, %iota3A, %eq3A_405 : vector<256x128xi8>
    %swap3A_407 = arith.constant 0 : index
    %swap3A_408 = arith.constant 5760 : index
    %swap3A_409 = vector.load %arg2[%swap3A_407, %swap3A_408] : memref<256x8192xi32, #tpu.memory_space<vmem>>, vector<256x128xi32>
    %swap3A_410 = arith.extui %eq3A_406 : vector<256x128xi1> to vector<256x128xi32>
    %swap3A_411 = arith.constant dense<0> : vector<256x128xi32>
    %swap3A_412 = arith.cmpi ne, %swap3A_409, %swap3A_411 : vector<256x128xi32>
    tpu.vector_store %arg2[%swap3A_407, %swap3A_408], %swap3A_410 {strides = array<i32>} : memref<256x8192xi32, #tpu.memory_space<vmem>>, vector<256x128xi32>,
    %slice3A_413 = vector.extract_strided_slice %get3A_1 {offsets = [0, 46], sizes = [256, 1], strides = [1, 1]} : vector<256x64xi8> to vector<256x1xi8>
    %eq3A_414 = vector.broadcast %slice3A_413 : vector<256x1xi8> to vector<256x128xi8>
    %eq3A_415 = arith.cmpi eq, %iota3A, %eq3A_414 : vector<256x128xi8>
    %swap3A_416 = arith.constant 0 : index
    %swap3A_417 = arith.constant 5888 : index
    %swap3A_418 = vector.load %arg2[%swap3A_416, %swap3A_417] : memref<256x8192xi32, #tpu.memory_space<vmem>>, vector<256x128xi32>
    %swap3A_419 = arith.extui %eq3A_415 : vector<256x128xi1> to vector<256x128xi32>
    %swap3A_420 = arith.constant dense<0> : vector<256x128xi32>
    %swap3A_421 = arith.cmpi ne, %swap3A_418, %swap3A_420 : vector<256x128xi32>
    tpu.vector_store %arg2[%swap3A_416, %swap3A_417], %swap3A_419 {strides = array<i32>} : memref<256x8192xi32, #tpu.memory_space<vmem>>, vector<256x128xi32>,
    %slice3A_422 = vector.extract_strided_slice %get3A_1 {offsets = [0, 47], sizes = [256, 1], strides = [1, 1]} : vector<256x64xi8> to vector<256x1xi8>
    %eq3A_423 = vector.broadcast %slice3A_422 : vector<256x1xi8> to vector<256x128xi8>
    %eq3A_424 = arith.cmpi eq, %iota3A, %eq3A_423 : vector<256x128xi8>
    %swap3A_425 = arith.constant 0 : index
    %swap3A_426 = arith.constant 6016 : index
    %swap3A_427 = vector.load %arg2[%swap3A_425, %swap3A_426] : memref<256x8192xi32, #tpu.memory_space<vmem>>, vector<256x128xi32>
    %swap3A_428 = arith.extui %eq3A_424 : vector<256x128xi1> to vector<256x128xi32>
    %swap3A_429 = arith.constant dense<0> : vector<256x128xi32>
    %swap3A_430 = arith.cmpi ne, %swap3A_427, %swap3A_429 : vector<256x128xi32>
    tpu.vector_store %arg2[%swap3A_425, %swap3A_426], %swap3A_428 {strides = array<i32>} : memref<256x8192xi32, #tpu.memory_space<vmem>>, vector<256x128xi32>,
    %slice3A_431 = vector.extract_strided_slice %get3A_1 {offsets = [0, 48], sizes = [256, 1], strides = [1, 1]} : vector<256x64xi8> to vector<256x1xi8>
    %eq3A_432 = vector.broadcast %slice3A_431 : vector<256x1xi8> to vector<256x128xi8>
    %eq3A_433 = arith.cmpi eq, %iota3A, %eq3A_432 : vector<256x128xi8>
    %swap3A_434 = arith.constant 0 : index
    %swap3A_435 = arith.constant 6144 : index
    %swap3A_436 = vector.load %arg2[%swap3A_434, %swap3A_435] : memref<256x8192xi32, #tpu.memory_space<vmem>>, vector<256x128xi32>
    %swap3A_437 = arith.extui %eq3A_433 : vector<256x128xi1> to vector<256x128xi32>
    %swap3A_438 = arith.constant dense<0> : vector<256x128xi32>
    %swap3A_439 = arith.cmpi ne, %swap3A_436, %swap3A_438 : vector<256x128xi32>
    tpu.vector_store %arg2[%swap3A_434, %swap3A_435], %swap3A_437 {strides = array<i32>} : memref<256x8192xi32, #tpu.memory_space<vmem>>, vector<256x128xi32>,
    %slice3A_440 = vector.extract_strided_slice %get3A_1 {offsets = [0, 49], sizes = [256, 1], strides = [1, 1]} : vector<256x64xi8> to vector<256x1xi8>
    %eq3A_441 = vector.broadcast %slice3A_440 : vector<256x1xi8> to vector<256x128xi8>
    %eq3A_442 = arith.cmpi eq, %iota3A, %eq3A_441 : vector<256x128xi8>
    %swap3A_443 = arith.constant 0 : index
    %swap3A_444 = arith.constant 6272 : index
    %swap3A_445 = vector.load %arg2[%swap3A_443, %swap3A_444] : memref<256x8192xi32, #tpu.memory_space<vmem>>, vector<256x128xi32>
    %swap3A_446 = arith.extui %eq3A_442 : vector<256x128xi1> to vector<256x128xi32>
    %swap3A_447 = arith.constant dense<0> : vector<256x128xi32>
    %swap3A_448 = arith.cmpi ne, %swap3A_445, %swap3A_447 : vector<256x128xi32>
    tpu.vector_store %arg2[%swap3A_443, %swap3A_444], %swap3A_446 {strides = array<i32>} : memref<256x8192xi32, #tpu.memory_space<vmem>>, vector<256x128xi32>,
    %slice3A_449 = vector.extract_strided_slice %get3A_1 {offsets = [0, 50], sizes = [256, 1], strides = [1, 1]} : vector<256x64xi8> to vector<256x1xi8>
    %eq3A_450 = vector.broadcast %slice3A_449 : vector<256x1xi8> to vector<256x128xi8>
    %eq3A_451 = arith.cmpi eq, %iota3A, %eq3A_450 : vector<256x128xi8>
    %swap3A_452 = arith.constant 0 : index
    %swap3A_453 = arith.constant 6400 : index
    %swap3A_454 = vector.load %arg2[%swap3A_452, %swap3A_453] : memref<256x8192xi32, #tpu.memory_space<vmem>>, vector<256x128xi32>
    %swap3A_455 = arith.extui %eq3A_451 : vector<256x128xi1> to vector<256x128xi32>
    %swap3A_456 = arith.constant dense<0> : vector<256x128xi32>
    %swap3A_457 = arith.cmpi ne, %swap3A_454, %swap3A_456 : vector<256x128xi32>
    tpu.vector_store %arg2[%swap3A_452, %swap3A_453], %swap3A_455 {strides = array<i32>} : memref<256x8192xi32, #tpu.memory_space<vmem>>, vector<256x128xi32>,
    %slice3A_458 = vector.extract_strided_slice %get3A_1 {offsets = [0, 51], sizes = [256, 1], strides = [1, 1]} : vector<256x64xi8> to vector<256x1xi8>
    %eq3A_459 = vector.broadcast %slice3A_458 : vector<256x1xi8> to vector<256x128xi8>
    %eq3A_460 = arith.cmpi eq, %iota3A, %eq3A_459 : vector<256x128xi8>
    %swap3A_461 = arith.constant 0 : index
    %swap3A_462 = arith.constant 6528 : index
    %swap3A_463 = vector.load %arg2[%swap3A_461, %swap3A_462] : memref<256x8192xi32, #tpu.memory_space<vmem>>, vector<256x128xi32>
    %swap3A_464 = arith.extui %eq3A_460 : vector<256x128xi1> to vector<256x128xi32>
    %swap3A_465 = arith.constant dense<0> : vector<256x128xi32>
    %swap3A_466 = arith.cmpi ne, %swap3A_463, %swap3A_465 : vector<256x128xi32>
    tpu.vector_store %arg2[%swap3A_461, %swap3A_462], %swap3A_464 {strides = array<i32>} : memref<256x8192xi32, #tpu.memory_space<vmem>>, vector<256x128xi32>,
    %slice3A_467 = vector.extract_strided_slice %get3A_1 {offsets = [0, 52], sizes = [256, 1], strides = [1, 1]} : vector<256x64xi8> to vector<256x1xi8>
    %eq3A_468 = vector.broadcast %slice3A_467 : vector<256x1xi8> to vector<256x128xi8>
    %eq3A_469 = arith.cmpi eq, %iota3A, %eq3A_468 : vector<256x128xi8>
    %swap3A_470 = arith.constant 0 : index
    %swap3A_471 = arith.constant 6656 : index
    %swap3A_472 = vector.load %arg2[%swap3A_470, %swap3A_471] : memref<256x8192xi32, #tpu.memory_space<vmem>>, vector<256x128xi32>
    %swap3A_473 = arith.extui %eq3A_469 : vector<256x128xi1> to vector<256x128xi32>
    %swap3A_474 = arith.constant dense<0> : vector<256x128xi32>
    %swap3A_475 = arith.cmpi ne, %swap3A_472, %swap3A_474 : vector<256x128xi32>
    tpu.vector_store %arg2[%swap3A_470, %swap3A_471], %swap3A_473 {strides = array<i32>} : memref<256x8192xi32, #tpu.memory_space<vmem>>, vector<256x128xi32>,
    %slice3A_476 = vector.extract_strided_slice %get3A_1 {offsets = [0, 53], sizes = [256, 1], strides = [1, 1]} : vector<256x64xi8> to vector<256x1xi8>
    %eq3A_477 = vector.broadcast %slice3A_476 : vector<256x1xi8> to vector<256x128xi8>
    %eq3A_478 = arith.cmpi eq, %iota3A, %eq3A_477 : vector<256x128xi8>
    %swap3A_479 = arith.constant 0 : index
    %swap3A_480 = arith.constant 6784 : index
    %swap3A_481 = vector.load %arg2[%swap3A_479, %swap3A_480] : memref<256x8192xi32, #tpu.memory_space<vmem>>, vector<256x128xi32>
    %swap3A_482 = arith.extui %eq3A_478 : vector<256x128xi1> to vector<256x128xi32>
    %swap3A_483 = arith.constant dense<0> : vector<256x128xi32>
    %swap3A_484 = arith.cmpi ne, %swap3A_481, %swap3A_483 : vector<256x128xi32>
    tpu.vector_store %arg2[%swap3A_479, %swap3A_480], %swap3A_482 {strides = array<i32>} : memref<256x8192xi32, #tpu.memory_space<vmem>>, vector<256x128xi32>,
    %slice3A_485 = vector.extract_strided_slice %get3A_1 {offsets = [0, 54], sizes = [256, 1], strides = [1, 1]} : vector<256x64xi8> to vector<256x1xi8>
    %eq3A_486 = vector.broadcast %slice3A_485 : vector<256x1xi8> to vector<256x128xi8>
    %eq3A_487 = arith.cmpi eq, %iota3A, %eq3A_486 : vector<256x128xi8>
    %swap3A_488 = arith.constant 0 : index
    %swap3A_489 = arith.constant 6912 : index
    %swap3A_490 = vector.load %arg2[%swap3A_488, %swap3A_489] : memref<256x8192xi32, #tpu.memory_space<vmem>>, vector<256x128xi32>
    %swap3A_491 = arith.extui %eq3A_487 : vector<256x128xi1> to vector<256x128xi32>
    %swap3A_492 = arith.constant dense<0> : vector<256x128xi32>
    %swap3A_493 = arith.cmpi ne, %swap3A_490, %swap3A_492 : vector<256x128xi32>
    tpu.vector_store %arg2[%swap3A_488, %swap3A_489], %swap3A_491 {strides = array<i32>} : memref<256x8192xi32, #tpu.memory_space<vmem>>, vector<256x128xi32>,
    %slice3A_494 = vector.extract_strided_slice %get3A_1 {offsets = [0, 55], sizes = [256, 1], strides = [1, 1]} : vector<256x64xi8> to vector<256x1xi8>
    %eq3A_495 = vector.broadcast %slice3A_494 : vector<256x1xi8> to vector<256x128xi8>
    %eq3A_496 = arith.cmpi eq, %iota3A, %eq3A_495 : vector<256x128xi8>
    %swap3A_497 = arith.constant 0 : index
    %swap3A_498 = arith.constant 7040 : index
    %swap3A_499 = vector.load %arg2[%swap3A_497, %swap3A_498] : memref<256x8192xi32, #tpu.memory_space<vmem>>, vector<256x128xi32>
    %swap3A_500 = arith.extui %eq3A_496 : vector<256x128xi1> to vector<256x128xi32>
    %swap3A_501 = arith.constant dense<0> : vector<256x128xi32>
    %swap3A_502 = arith.cmpi ne, %swap3A_499, %swap3A_501 : vector<256x128xi32>
    tpu.vector_store %arg2[%swap3A_497, %swap3A_498], %swap3A_500 {strides = array<i32>} : memref<256x8192xi32, #tpu.memory_space<vmem>>, vector<256x128xi32>,
    %slice3A_503 = vector.extract_strided_slice %get3A_1 {offsets = [0, 56], sizes = [256, 1], strides = [1, 1]} : vector<256x64xi8> to vector<256x1xi8>
    %eq3A_504 = vector.broadcast %slice3A_503 : vector<256x1xi8> to vector<256x128xi8>
    %eq3A_505 = arith.cmpi eq, %iota3A, %eq3A_504 : vector<256x128xi8>
    %swap3A_506 = arith.constant 0 : index
    %swap3A_507 = arith.constant 7168 : index
    %swap3A_508 = vector.load %arg2[%swap3A_506, %swap3A_507] : memref<256x8192xi32, #tpu.memory_space<vmem>>, vector<256x128xi32>
    %swap3A_509 = arith.extui %eq3A_505 : vector<256x128xi1> to vector<256x128xi32>
    %swap3A_510 = arith.constant dense<0> : vector<256x128xi32>
    %swap3A_511 = arith.cmpi ne, %swap3A_508, %swap3A_510 : vector<256x128xi32>
    tpu.vector_store %arg2[%swap3A_506, %swap3A_507], %swap3A_509 {strides = array<i32>} : memref<256x8192xi32, #tpu.memory_space<vmem>>, vector<256x128xi32>,
    %slice3A_512 = vector.extract_strided_slice %get3A_1 {offsets = [0, 57], sizes = [256, 1], strides = [1, 1]} : vector<256x64xi8> to vector<256x1xi8>
    %eq3A_513 = vector.broadcast %slice3A_512 : vector<256x1xi8> to vector<256x128xi8>
    %eq3A_514 = arith.cmpi eq, %iota3A, %eq3A_513 : vector<256x128xi8>
    %swap3A_515 = arith.constant 0 : index
    %swap3A_516 = arith.constant 7296 : index
    %swap3A_517 = vector.load %arg2[%swap3A_515, %swap3A_516] : memref<256x8192xi32, #tpu.memory_space<vmem>>, vector<256x128xi32>
    %swap3A_518 = arith.extui %eq3A_514 : vector<256x128xi1> to vector<256x128xi32>
    %swap3A_519 = arith.constant dense<0> : vector<256x128xi32>
    %swap3A_520 = arith.cmpi ne, %swap3A_517, %swap3A_519 : vector<256x128xi32>
    tpu.vector_store %arg2[%swap3A_515, %swap3A_516], %swap3A_518 {strides = array<i32>} : memref<256x8192xi32, #tpu.memory_space<vmem>>, vector<256x128xi32>,
    %slice3A_521 = vector.extract_strided_slice %get3A_1 {offsets = [0, 58], sizes = [256, 1], strides = [1, 1]} : vector<256x64xi8> to vector<256x1xi8>
    %eq3A_522 = vector.broadcast %slice3A_521 : vector<256x1xi8> to vector<256x128xi8>
    %eq3A_523 = arith.cmpi eq, %iota3A, %eq3A_522 : vector<256x128xi8>
    %swap3A_524 = arith.constant 0 : index
    %swap3A_525 = arith.constant 7424 : index
    %swap3A_526 = vector.load %arg2[%swap3A_524, %swap3A_525] : memref<256x8192xi32, #tpu.memory_space<vmem>>, vector<256x128xi32>
    %swap3A_527 = arith.extui %eq3A_523 : vector<256x128xi1> to vector<256x128xi32>
    %swap3A_528 = arith.constant dense<0> : vector<256x128xi32>
    %swap3A_529 = arith.cmpi ne, %swap3A_526, %swap3A_528 : vector<256x128xi32>
    tpu.vector_store %arg2[%swap3A_524, %swap3A_525], %swap3A_527 {strides = array<i32>} : memref<256x8192xi32, #tpu.memory_space<vmem>>, vector<256x128xi32>,
    %slice3A_530 = vector.extract_strided_slice %get3A_1 {offsets = [0, 59], sizes = [256, 1], strides = [1, 1]} : vector<256x64xi8> to vector<256x1xi8>
    %eq3A_531 = vector.broadcast %slice3A_530 : vector<256x1xi8> to vector<256x128xi8>
    %eq3A_532 = arith.cmpi eq, %iota3A, %eq3A_531 : vector<256x128xi8>
    %swap3A_533 = arith.constant 0 : index
    %swap3A_534 = arith.constant 7552 : index
    %swap3A_535 = vector.load %arg2[%swap3A_533, %swap3A_534] : memref<256x8192xi32, #tpu.memory_space<vmem>>, vector<256x128xi32>
    %swap3A_536 = arith.extui %eq3A_532 : vector<256x128xi1> to vector<256x128xi32>
    %swap3A_537 = arith.constant dense<0> : vector<256x128xi32>
    %swap3A_538 = arith.cmpi ne, %swap3A_535, %swap3A_537 : vector<256x128xi32>
    tpu.vector_store %arg2[%swap3A_533, %swap3A_534], %swap3A_536 {strides = array<i32>} : memref<256x8192xi32, #tpu.memory_space<vmem>>, vector<256x128xi32>,
    %slice3A_539 = vector.extract_strided_slice %get3A_1 {offsets = [0, 60], sizes = [256, 1], strides = [1, 1]} : vector<256x64xi8> to vector<256x1xi8>
    %eq3A_540 = vector.broadcast %slice3A_539 : vector<256x1xi8> to vector<256x128xi8>
    %eq3A_541 = arith.cmpi eq, %iota3A, %eq3A_540 : vector<256x128xi8>
    %swap3A_542 = arith.constant 0 : index
    %swap3A_543 = arith.constant 7680 : index
    %swap3A_544 = vector.load %arg2[%swap3A_542, %swap3A_543] : memref<256x8192xi32, #tpu.memory_space<vmem>>, vector<256x128xi32>
    %swap3A_545 = arith.extui %eq3A_541 : vector<256x128xi1> to vector<256x128xi32>
    %swap3A_546 = arith.constant dense<0> : vector<256x128xi32>
    %swap3A_547 = arith.cmpi ne, %swap3A_544, %swap3A_546 : vector<256x128xi32>
    tpu.vector_store %arg2[%swap3A_542, %swap3A_543], %swap3A_545 {strides = array<i32>} : memref<256x8192xi32, #tpu.memory_space<vmem>>, vector<256x128xi32>,
    %slice3A_548 = vector.extract_strided_slice %get3A_1 {offsets = [0, 61], sizes = [256, 1], strides = [1, 1]} : vector<256x64xi8> to vector<256x1xi8>
    %eq3A_549 = vector.broadcast %slice3A_548 : vector<256x1xi8> to vector<256x128xi8>
    %eq3A_550 = arith.cmpi eq, %iota3A, %eq3A_549 : vector<256x128xi8>
    %swap3A_551 = arith.constant 0 : index
    %swap3A_552 = arith.constant 7808 : index
    %swap3A_553 = vector.load %arg2[%swap3A_551, %swap3A_552] : memref<256x8192xi32, #tpu.memory_space<vmem>>, vector<256x128xi32>
    %swap3A_554 = arith.extui %eq3A_550 : vector<256x128xi1> to vector<256x128xi32>
    %swap3A_555 = arith.constant dense<0> : vector<256x128xi32>
    %swap3A_556 = arith.cmpi ne, %swap3A_553, %swap3A_555 : vector<256x128xi32>
    tpu.vector_store %arg2[%swap3A_551, %swap3A_552], %swap3A_554 {strides = array<i32>} : memref<256x8192xi32, #tpu.memory_space<vmem>>, vector<256x128xi32>,
    %slice3A_557 = vector.extract_strided_slice %get3A_1 {offsets = [0, 62], sizes = [256, 1], strides = [1, 1]} : vector<256x64xi8> to vector<256x1xi8>
    %eq3A_558 = vector.broadcast %slice3A_557 : vector<256x1xi8> to vector<256x128xi8>
    %eq3A_559 = arith.cmpi eq, %iota3A, %eq3A_558 : vector<256x128xi8>
    %swap3A_560 = arith.constant 0 : index
    %swap3A_561 = arith.constant 7936 : index
    %swap3A_562 = vector.load %arg2[%swap3A_560, %swap3A_561] : memref<256x8192xi32, #tpu.memory_space<vmem>>, vector<256x128xi32>
    %swap3A_563 = arith.extui %eq3A_559 : vector<256x128xi1> to vector<256x128xi32>
    %swap3A_564 = arith.constant dense<0> : vector<256x128xi32>
    %swap3A_565 = arith.cmpi ne, %swap3A_562, %swap3A_564 : vector<256x128xi32>
    tpu.vector_store %arg2[%swap3A_560, %swap3A_561], %swap3A_563 {strides = array<i32>} : memref<256x8192xi32, #tpu.memory_space<vmem>>, vector<256x128xi32>,
    %slice3A_566 = vector.extract_strided_slice %get3A_1 {offsets = [0, 63], sizes = [256, 1], strides = [1, 1]} : vector<256x64xi8> to vector<256x1xi8>
    %eq3A_567 = vector.broadcast %slice3A_566 : vector<256x1xi8> to vector<256x128xi8>
    %eq3A_568 = arith.cmpi eq, %iota3A, %eq3A_567 : vector<256x128xi8>
    %swap3A_569 = arith.constant 0 : index
    %swap3A_570 = arith.constant 8064 : index
    %swap3A_571 = vector.load %arg2[%swap3A_569, %swap3A_570] : memref<256x8192xi32, #tpu.memory_space<vmem>>, vector<256x128xi32>
    %swap3A_572 = arith.extui %eq3A_568 : vector<256x128xi1> to vector<256x128xi32>
    %swap3A_573 = arith.constant dense<0> : vector<256x128xi32>
    %swap3A_574 = arith.cmpi ne, %swap3A_571, %swap3A_573 : vector<256x128xi32>
    tpu.vector_store %arg2[%swap3A_569, %swap3A_570], %swap3A_572 {strides = array<i32>} : memref<256x8192xi32, #tpu.memory_space<vmem>>, vector<256x128xi32>,
    return
  }
  func.func @transform_0(%arg0: i32) -> (i32, i32) {
    %c0_i32 = arith.constant 0 : i32
    %c0_i32_0 = arith.constant 0 : i32
    return %arg0, %c0_i32 : i32, i32
  }
  func.func @transform_1(%arg0: i32) -> (i32, i32) {
    %c0_i32 = arith.constant 0 : i32
    %c0_i32_0 = arith.constant 0 : i32
    return %arg0, %c0_i32 : i32, i32
  }
}

module attributes {stable_mosaic.version = 14 : i64} {
  func.func @_route_kernel(%arg0: memref<4096x1024xf32, #tpu.memory_space<vmem>>, %arg1: memref<64x1024xf32, #tpu.memory_space<vmem>>, %arg2: memref<4096x64xf32, #tpu.memory_space<vmem>>, %arg3: memref<1x1xf32, #tpu.memory_space<vmem>>, %arg4: memref<4096x64xi8, #tpu.memory_space<vmem>>, %arg5: memref<4096x2xi32, #tpu.memory_space<vmem>>, %arg6: memref<4096x2xf32, #tpu.memory_space<vmem>>) attributes {dimension_semantics = [], scalar_prefetch = 0 : i64, scratch_operands = 0 : i64, tpu.core_type = #tpu.core_type<tc>} {
    %get3A = arith.constant 0 : index
    %get3A_0 = arith.constant 0 : index
    %get3A_1 = vector.load %arg0[%get3A, %get3A_0] : memref<4096x1024xf32, #tpu.memory_space<vmem>>, vector<4096x1024xf32>
    %get3A_2 = arith.constant 0 : index
    %get3A_3 = arith.constant 0 : index
    %get3A_4 = vector.load %arg1[%get3A_2, %get3A_3] : memref<64x1024xf32, #tpu.memory_space<vmem>>, vector<64x1024xf32>
    %dot_general3A = arith.constant dense<0.000000e+00> : vector<4096x64xf32>
    %dot_general3A_5 = tpu.matmul %get3A_1, %get3A_4, %dot_general3A {dimension_numbers = #tpu.dot_dimension_numbers<[1], [1], [0], [0], [0, 0, 1, 0], [], []>, transpose_lhs_hint = false} : vector<4096x1024xf32>, vector<64x1024xf32>, vector<4096x64xf32> -> vector<4096x64xf32>
    %reduce_max3A = arith.constant dense<0xFF800000> : vector<4096xf32>
    %reduce_max3A_6 = vector.multi_reduction <maximumf>, %dot_general3A_5, %reduce_max3A [1] : vector<4096x64xf32> to vector<4096xf32>
    %broadcast_in_dim3A = vector.shape_cast %reduce_max3A_6 : vector<4096xf32> to vector<4096x1xf32>
    %sub3A = vector.broadcast %broadcast_in_dim3A : vector<4096x1xf32> to vector<4096x64xf32>
    %sub3A_7 = arith.subf %dot_general3A_5, %sub3A : vector<4096x64xf32>
    %exp3A = math.exp %sub3A_7 : vector<4096x64xf32>
    %reduce_sum3A = arith.constant dense<0.000000e+00> : vector<4096xf32>
    %reduce_sum3A_8 = vector.multi_reduction <add>, %exp3A, %reduce_sum3A [1] : vector<4096x64xf32> to vector<4096xf32>
    %broadcast_in_dim3A_9 = vector.shape_cast %reduce_sum3A_8 : vector<4096xf32> to vector<4096x1xf32>
    %div3A = vector.broadcast %broadcast_in_dim3A_9 : vector<4096x1xf32> to vector<4096x64xf32>
    %div3A_10 = arith.divf %exp3A, %div3A : vector<4096x64xf32>
    %iota3A = tpu.iota {dimensions = array<i32: 1>} : vector<4096x64xi32>
    %argmax3A = tpu.reduce_index %dot_general3A_5 {axis = 1 : i32, kind = #tpu.reduction_kind<arg_max>} : vector<4096x64xf32> -> vector<4096xi32>
    %broadcast_in_dim3A_11 = vector.shape_cast %argmax3A : vector<4096xi32> to vector<4096x1xi32>
    %eq3A = vector.broadcast %broadcast_in_dim3A_11 : vector<4096x1xi32> to vector<4096x64xi32>
    %eq3A_12 = arith.cmpi eq, %iota3A, %eq3A : vector<4096x64xi32>
    %reduce_max3A_13 = arith.constant dense<0xFF800000> : vector<4096xf32>
    %reduce_max3A_14 = vector.multi_reduction <maximumf>, %div3A_10, %reduce_max3A_13 [1] : vector<4096x64xf32> to vector<4096xf32>
    %get3A_15 = arith.constant 0 : index
    %get3A_16 = arith.constant 0 : index
    %get3A_17 = vector.load %arg2[%get3A_15, %get3A_16] : memref<4096x64xf32, #tpu.memory_space<vmem>>, vector<4096x64xf32>
    %add3A = arith.addf %dot_general3A_5, %get3A_17 : vector<4096x64xf32>
    %jit3A = arith.constant 0xFF800000 : f32
    %broadcast_in_dim3A_18 = vector.broadcast %jit3A : f32 to vector<4096x64xf32>
    %select_n3A = arith.select %eq3A_12, %broadcast_in_dim3A_18, %add3A : vector<4096x64xi1>, vector<4096x64xf32>
    %argmax3A_19 = tpu.reduce_index %select_n3A {axis = 1 : i32, kind = #tpu.reduction_kind<arg_max>} : vector<4096x64xf32> -> vector<4096xi32>
    %broadcast_in_dim3A_20 = vector.shape_cast %argmax3A_19 : vector<4096xi32> to vector<4096x1xi32>
    %eq3A_21 = vector.broadcast %broadcast_in_dim3A_20 : vector<4096x1xi32> to vector<4096x64xi32>
    %eq3A_22 = arith.cmpi eq, %iota3A, %eq3A_21 : vector<4096x64xi32>
    %jit3A_23 = arith.constant 0.000000e+00 : f32
    %broadcast_in_dim3A_24 = vector.broadcast %jit3A_23 : f32 to vector<4096x64xf32>
    %select_n3A_25 = arith.select %eq3A_22, %div3A_10, %broadcast_in_dim3A_24 : vector<4096x64xi1>, vector<4096x64xf32>
    %reduce_sum3A_26 = arith.constant dense<0.000000e+00> : vector<4096xf32>
    %reduce_sum3A_27 = vector.multi_reduction <add>, %select_n3A_25, %reduce_sum3A_26 [1] : vector<4096x64xf32> to vector<4096xf32>
    %convert_element_type3A = arith.extui %eq3A_12 : vector<4096x64xi1> to vector<4096x64xi32>
    %convert_element_type3A_28 = arith.sitofp %convert_element_type3A : vector<4096x64xi32> to vector<4096x64xf32>
    %reshape3A = vector.shape_cast %convert_element_type3A_28 : vector<4096x64xf32> to vector<32x128x64xf32>
    %iota3A_29 = tpu.iota {dimensions = array<i32: 0>} : vector<128x128xi32>
    %iota3A_30 = tpu.iota {dimensions = array<i32: 1>} : vector<128x128xi32>
    %le3A = arith.cmpi sle, %iota3A_30, %iota3A_29 : vector<128x128xi32>
    %convert_element_type3A_31 = arith.extui %le3A : vector<128x128xi1> to vector<128x128xi32>
    %convert_element_type3A_32 = arith.sitofp %convert_element_type3A_31 : vector<128x128xi32> to vector<128x128xf32>
    %broadcast_in_dim3A_33 = vector.shape_cast %convert_element_type3A_32 : vector<128x128xf32> to vector<1x128x128xf32>
    %broadcast_in_dim3A_34 = vector.broadcast %broadcast_in_dim3A_33 : vector<1x128x128xf32> to vector<32x128x128xf32>
    %dot_general3A_35 = arith.constant dense<0.000000e+00> : vector<32x128x64xf32>
    %dot_general3A_36 = tpu.matmul %broadcast_in_dim3A_34, %reshape3A, %dot_general3A_35 {dimension_numbers = #tpu.dot_dimension_numbers<[2], [1], [1], [2], [0, 0, 0, 1, 1, 2], [0], [0]>, transpose_lhs_hint = false} : vector<32x128x128xf32>, vector<32x128x64xf32>, vector<32x128x64xf32> -> vector<32x128x64xf32>
    %slice3A = vector.extract_strided_slice %dot_general3A_36 {offsets = [0, 127, 0], sizes = [32, 1, 64], strides = [1, 1, 1]} : vector<32x128x64xf32> to vector<32x1x64xf32>
    %squeeze3A = vector.shape_cast %slice3A : vector<32x1x64xf32> to vector<32x64xf32>
    %iota3A_37 = tpu.iota {dimensions = array<i32: 0>} : vector<32x32xi32>
    %iota3A_38 = tpu.iota {dimensions = array<i32: 1>} : vector<32x32xi32>
    %lt3A = arith.cmpi slt, %iota3A_38, %iota3A_37 : vector<32x32xi32>
    %convert_element_type3A_39 = arith.extui %lt3A : vector<32x32xi1> to vector<32x32xi32>
    %convert_element_type3A_40 = arith.sitofp %convert_element_type3A_39 : vector<32x32xi32> to vector<32x32xf32>
    %dot_general3A_41 = arith.constant dense<0.000000e+00> : vector<32x64xf32>
    %dot_general3A_42 = tpu.matmul %convert_element_type3A_40, %squeeze3A, %dot_general3A_41 {dimension_numbers = #tpu.dot_dimension_numbers<[1], [0], [0], [1], [0, 0, 1, 1], [], []>, transpose_lhs_hint = false} : vector<32x32xf32>, vector<32x64xf32>, vector<32x64xf32> -> vector<32x64xf32>
    %broadcast_in_dim3A_43 = vector.shape_cast %dot_general3A_42 : vector<32x64xf32> to vector<32x1x64xf32>
    %add3A_44 = vector.broadcast %broadcast_in_dim3A_43 : vector<32x1x64xf32> to vector<32x128x64xf32>
    %add3A_45 = arith.addf %dot_general3A_36, %add3A_44 : vector<32x128x64xf32>
    %reshape3A_46 = vector.shape_cast %add3A_45 : vector<32x128x64xf32> to vector<4096x64xf32>
    %convert_element_type3A_47 = arith.extui %eq3A_22 : vector<4096x64xi1> to vector<4096x64xi32>
    %convert_element_type3A_48 = arith.sitofp %convert_element_type3A_47 : vector<4096x64xi32> to vector<4096x64xf32>
    %reshape3A_49 = vector.shape_cast %convert_element_type3A_48 : vector<4096x64xf32> to vector<32x128x64xf32>
    %iota3A_50 = tpu.iota {dimensions = array<i32: 0>} : vector<128x128xi32>
    %iota3A_51 = tpu.iota {dimensions = array<i32: 1>} : vector<128x128xi32>
    %le3A_52 = arith.cmpi sle, %iota3A_51, %iota3A_50 : vector<128x128xi32>
    %convert_element_type3A_53 = arith.extui %le3A_52 : vector<128x128xi1> to vector<128x128xi32>
    %convert_element_type3A_54 = arith.sitofp %convert_element_type3A_53 : vector<128x128xi32> to vector<128x128xf32>
    %broadcast_in_dim3A_55 = vector.shape_cast %convert_element_type3A_54 : vector<128x128xf32> to vector<1x128x128xf32>
    %broadcast_in_dim3A_56 = vector.broadcast %broadcast_in_dim3A_55 : vector<1x128x128xf32> to vector<32x128x128xf32>
    %dot_general3A_57 = arith.constant dense<0.000000e+00> : vector<32x128x64xf32>
    %dot_general3A_58 = tpu.matmul %broadcast_in_dim3A_56, %reshape3A_49, %dot_general3A_57 {dimension_numbers = #tpu.dot_dimension_numbers<[2], [1], [1], [2], [0, 0, 0, 1, 1, 2], [0], [0]>, transpose_lhs_hint = false} : vector<32x128x128xf32>, vector<32x128x64xf32>, vector<32x128x64xf32> -> vector<32x128x64xf32>
    %slice3A_59 = vector.extract_strided_slice %dot_general3A_58 {offsets = [0, 127, 0], sizes = [32, 1, 64], strides = [1, 1, 1]} : vector<32x128x64xf32> to vector<32x1x64xf32>
    %squeeze3A_60 = vector.shape_cast %slice3A_59 : vector<32x1x64xf32> to vector<32x64xf32>
    %iota3A_61 = tpu.iota {dimensions = array<i32: 0>} : vector<32x32xi32>
    %iota3A_62 = tpu.iota {dimensions = array<i32: 1>} : vector<32x32xi32>
    %lt3A_63 = arith.cmpi slt, %iota3A_62, %iota3A_61 : vector<32x32xi32>
    %convert_element_type3A_64 = arith.extui %lt3A_63 : vector<32x32xi1> to vector<32x32xi32>
    %convert_element_type3A_65 = arith.sitofp %convert_element_type3A_64 : vector<32x32xi32> to vector<32x32xf32>
    %dot_general3A_66 = arith.constant dense<0.000000e+00> : vector<32x64xf32>
    %dot_general3A_67 = tpu.matmul %convert_element_type3A_65, %squeeze3A_60, %dot_general3A_66 {dimension_numbers = #tpu.dot_dimension_numbers<[1], [0], [0], [1], [0, 0, 1, 1], [], []>, transpose_lhs_hint = false} : vector<32x32xf32>, vector<32x64xf32>, vector<32x64xf32> -> vector<32x64xf32>
    %broadcast_in_dim3A_68 = vector.shape_cast %dot_general3A_67 : vector<32x64xf32> to vector<32x1x64xf32>
    %add3A_69 = vector.broadcast %broadcast_in_dim3A_68 : vector<32x1x64xf32> to vector<32x128x64xf32>
    %add3A_70 = arith.addf %dot_general3A_58, %add3A_69 : vector<32x128x64xf32>
    %reshape3A_71 = vector.shape_cast %add3A_70 : vector<32x128x64xf32> to vector<4096x64xf32>
    %slice3A_72 = vector.extract_strided_slice %reshape3A_46 {offsets = [4095, 0], sizes = [1, 64], strides = [1, 1]} : vector<4096x64xf32> to vector<1x64xf32>
    %sub3A_73 = arith.constant 1.000000e+00 : f32
    %sub3A_74 = vector.broadcast %sub3A_73 : f32 to vector<4096x64xf32>
    %sub3A_75 = arith.subf %reshape3A_46, %sub3A_74 : vector<4096x64xf32>
    %jit3A_76 = arith.constant 0.000000e+00 : f32
    %broadcast_in_dim3A_77 = vector.broadcast %jit3A_76 : f32 to vector<4096x64xf32>
    %select_n3A_78 = arith.select %eq3A_12, %sub3A_75, %broadcast_in_dim3A_77 : vector<4096x64xi1>, vector<4096x64xf32>
    %reduce_sum3A_79 = arith.constant dense<0.000000e+00> : vector<4096xf32>
    %reduce_sum3A_80 = vector.multi_reduction <add>, %select_n3A_78, %reduce_sum3A_79 [1] : vector<4096x64xf32> to vector<4096xf32>
    %sub3A_81 = arith.constant 1.000000e+00 : f32
    %sub3A_82 = vector.broadcast %sub3A_81 : f32 to vector<4096x64xf32>
    %sub3A_83 = arith.subf %reshape3A_71, %sub3A_82 : vector<4096x64xf32>
    %add3A_84 = vector.broadcast %slice3A_72 : vector<1x64xf32> to vector<4096x64xf32>
    %add3A_85 = arith.addf %sub3A_83, %add3A_84 : vector<4096x64xf32>
    %jit3A_86 = arith.constant 0.000000e+00 : f32
    %broadcast_in_dim3A_87 = vector.broadcast %jit3A_86 : f32 to vector<4096x64xf32>
    %select_n3A_88 = arith.select %eq3A_22, %add3A_85, %broadcast_in_dim3A_87 : vector<4096x64xi1>, vector<4096x64xf32>
    %reduce_sum3A_89 = arith.constant dense<0.000000e+00> : vector<4096xf32>
    %reduce_sum3A_90 = vector.multi_reduction <add>, %select_n3A_88, %reduce_sum3A_89 [1] : vector<4096x64xf32> to vector<4096xf32>
    %lt3A_91 = arith.constant 1.280000e+02 : f32
    %lt3A_92 = vector.broadcast %lt3A_91 : f32 to vector<4096xf32>
    %lt3A_93 = arith.cmpf olt, %reduce_sum3A_80, %lt3A_92 : vector<4096xf32>
    %jit3A_94 = arith.constant 0.000000e+00 : f32
    %broadcast_in_dim3A_95 = vector.broadcast %jit3A_94 : f32 to vector<4096xf32>
    %select_n3A_96 = arith.select %lt3A_93, %reduce_max3A_14, %broadcast_in_dim3A_95 : vector<4096xi1>, vector<4096xf32>
    %lt3A_97 = arith.constant 1.280000e+02 : f32
    %lt3A_98 = vector.broadcast %lt3A_97 : f32 to vector<4096xf32>
    %lt3A_99 = arith.cmpf olt, %reduce_sum3A_90, %lt3A_98 : vector<4096xf32>
    %jit3A_100 = arith.constant 0.000000e+00 : f32
    %broadcast_in_dim3A_101 = vector.broadcast %jit3A_100 : f32 to vector<4096xf32>
    %select_n3A_102 = arith.select %lt3A_99, %reduce_sum3A_27, %broadcast_in_dim3A_101 : vector<4096xi1>, vector<4096xf32>
    %add3A_103 = arith.addf %select_n3A_96, %select_n3A_102 : vector<4096xf32>
    %max3A = arith.constant 1.1920929E-7 : f32
    %max3A_104 = vector.broadcast %max3A : f32 to vector<4096xf32>
    %max3A_105 = arith.maximumf %add3A_103, %max3A_104 : vector<4096xf32>
    %div3A_106 = arith.divf %select_n3A_96, %max3A_105 : vector<4096xf32>
    %div3A_107 = arith.divf %select_n3A_102, %max3A_105 : vector<4096xf32>
    %convert_element_type3A_108 = arith.fptosi %reduce_sum3A_80 : vector<4096xf32> to vector<4096xi32>
    %convert_element_type3A_109 = arith.fptosi %reduce_sum3A_90 : vector<4096xf32> to vector<4096xi32>
    %lt3A_110 = arith.constant 128 : i32
    %lt3A_111 = vector.broadcast %lt3A_110 : i32 to vector<4096xi32>
    %lt3A_112 = arith.cmpi slt, %convert_element_type3A_108, %lt3A_111 : vector<4096xi32>
    %ne3A = arith.constant 0.000000e+00 : f32
    %ne3A_113 = vector.broadcast %ne3A : f32 to vector<4096xf32>
    %ne3A_114 = arith.cmpf one, %div3A_106, %ne3A_113 : vector<4096xf32>
    %and3A = arith.andi %lt3A_112, %ne3A_114 : vector<4096xi1>
    %broadcast_in_dim3A_115 = vector.shape_cast %and3A : vector<4096xi1> to vector<4096x1xi1>
    %and3A_116 = vector.broadcast %broadcast_in_dim3A_115 : vector<4096x1xi1> to vector<4096x64xi1>
    %and3A_117 = arith.andi %eq3A_12, %and3A_116 : vector<4096x64xi1>
    %lt3A_118 = arith.constant 128 : i32
    %lt3A_119 = vector.broadcast %lt3A_118 : i32 to vector<4096xi32>
    %lt3A_120 = arith.cmpi slt, %convert_element_type3A_109, %lt3A_119 : vector<4096xi32>
    %ne3A_121 = arith.constant 0.000000e+00 : f32
    %ne3A_122 = vector.broadcast %ne3A_121 : f32 to vector<4096xf32>
    %ne3A_123 = arith.cmpf one, %div3A_107, %ne3A_122 : vector<4096xf32>
    %and3A_124 = arith.andi %lt3A_120, %ne3A_123 : vector<4096xi1>
    %broadcast_in_dim3A_125 = vector.shape_cast %and3A_124 : vector<4096xi1> to vector<4096x1xi1>
    %and3A_126 = vector.broadcast %broadcast_in_dim3A_125 : vector<4096x1xi1> to vector<4096x64xi1>
    %and3A_127 = arith.andi %eq3A_22, %and3A_126 : vector<4096x64xi1>
    %broadcast_in_dim3A_128 = vector.shape_cast %convert_element_type3A_108 : vector<4096xi32> to vector<4096x1xi32>
    %broadcast_in_dim3A_129 = vector.shape_cast %convert_element_type3A_109 : vector<4096xi32> to vector<4096x1xi32>
    %jit3A_130 = arith.constant -1 : i32
    %broadcast_in_dim3A_131 = vector.shape_cast %broadcast_in_dim3A_129 : vector<4096x1xi32> to vector<4096x1xi32>
    %broadcast_in_dim3A_132 = vector.broadcast %broadcast_in_dim3A_131 : vector<4096x1xi32> to vector<4096x64xi32>
    %broadcast_in_dim3A_133 = vector.broadcast %jit3A_130 : i32 to vector<4096x64xi32>
    %select_n3A_134 = arith.select %and3A_127, %broadcast_in_dim3A_132, %broadcast_in_dim3A_133 : vector<4096x64xi1>, vector<4096x64xi32>
    %broadcast_in_dim3A_135 = vector.shape_cast %broadcast_in_dim3A_128 : vector<4096x1xi32> to vector<4096x1xi32>
    %broadcast_in_dim3A_136 = vector.broadcast %broadcast_in_dim3A_135 : vector<4096x1xi32> to vector<4096x64xi32>
    %select_n3A_137 = arith.select %and3A_117, %broadcast_in_dim3A_136, %select_n3A_134 : vector<4096x64xi1>, vector<4096x64xi32>
    %convert_element_type3A_138 = arith.trunci %select_n3A_137 : vector<4096x64xi32> to vector<4096x64xi8>
    %swap3A = arith.constant 0 : index
    %swap3A_139 = arith.constant 0 : index
    %swap3A_140 = vector.load %arg4[%swap3A, %swap3A_139] : memref<4096x64xi8, #tpu.memory_space<vmem>>, vector<4096x64xi8>
    tpu.vector_store %arg4[%swap3A, %swap3A_139], %convert_element_type3A_138 {strides = array<i32>} : memref<4096x64xi8, #tpu.memory_space<vmem>>, vector<4096x64xi8>,
    %mul3A = arith.constant 128 : i32
    %mul3A_141 = vector.broadcast %mul3A : i32 to vector<4096xi32>
    %mul3A_142 = arith.muli %argmax3A, %mul3A_141 : vector<4096xi32>
    %min3A = arith.constant 127 : i32
    %min3A_143 = vector.broadcast %min3A : i32 to vector<4096xi32>
    %min3A_144 = arith.minsi %convert_element_type3A_108, %min3A_143 : vector<4096xi32>
    %add3A_145 = arith.addi %mul3A_142, %min3A_144 : vector<4096xi32>
    %mul3A_146 = arith.constant 128 : i32
    %mul3A_147 = vector.broadcast %mul3A_146 : i32 to vector<4096xi32>
    %mul3A_148 = arith.muli %argmax3A_19, %mul3A_147 : vector<4096xi32>
    %min3A_149 = arith.constant 127 : i32
    %min3A_150 = vector.broadcast %min3A_149 : i32 to vector<4096xi32>
    %min3A_151 = arith.minsi %convert_element_type3A_109, %min3A_150 : vector<4096xi32>
    %add3A_152 = arith.addi %mul3A_148, %min3A_151 : vector<4096xi32>
    %broadcast_in_dim3A_153 = vector.shape_cast %add3A_145 : vector<4096xi32> to vector<4096x1xi32>
    %broadcast_in_dim3A_154 = vector.shape_cast %add3A_152 : vector<4096xi32> to vector<4096x1xi32>
    %concatenate3A = tpu.concatenate %broadcast_in_dim3A_153, %broadcast_in_dim3A_154 in 1 : vector<4096x1xi32>, vector<4096x1xi32> -> vector<4096x2xi32>
    %swap3A_155 = arith.constant 0 : index
    %swap3A_156 = arith.constant 0 : index
    %swap3A_157 = vector.load %arg5[%swap3A_155, %swap3A_156] : memref<4096x2xi32, #tpu.memory_space<vmem>>, vector<4096x2xi32>
    tpu.vector_store %arg5[%swap3A_155, %swap3A_156], %concatenate3A {strides = array<i32>} : memref<4096x2xi32, #tpu.memory_space<vmem>>, vector<4096x2xi32>,
    %broadcast_in_dim3A_158 = vector.shape_cast %div3A_106 : vector<4096xf32> to vector<4096x1xf32>
    %broadcast_in_dim3A_159 = vector.shape_cast %div3A_107 : vector<4096xf32> to vector<4096x1xf32>
    %concatenate3A_160 = tpu.concatenate %broadcast_in_dim3A_158, %broadcast_in_dim3A_159 in 1 : vector<4096x1xf32>, vector<4096x1xf32> -> vector<4096x2xf32>
    %swap3A_161 = arith.constant 0 : index
    %swap3A_162 = arith.constant 0 : index
    %swap3A_163 = vector.load %arg6[%swap3A_161, %swap3A_162] : memref<4096x2xf32, #tpu.memory_space<vmem>>, vector<4096x2xf32>
    tpu.vector_store %arg6[%swap3A_161, %swap3A_162], %concatenate3A_160 {strides = array<i32>} : memref<4096x2xf32, #tpu.memory_space<vmem>>, vector<4096x2xf32>,
    %reduce_sum3A_164 = arith.constant dense<0.000000e+00> : vector<64xf32>
    %reduce_sum3A_165 = vector.multi_reduction <add>, %div3A_10, %reduce_sum3A_164 [0] : vector<4096x64xf32> to vector<64xf32>
    %broadcast_in_dim3A_166 = vector.shape_cast %reduce_sum3A_165 : vector<64xf32> to vector<1x64xf32>
    %mul3A_167 = arith.mulf %broadcast_in_dim3A_166, %slice3A_72 : vector<1x64xf32>
    %reduce_sum3A_168 = arith.constant dense<0.000000e+00> : vector<1xf32>
    %reduce_sum3A_169 = vector.multi_reduction <add>, %mul3A_167, %reduce_sum3A_168 [1] : vector<1x64xf32> to vector<1xf32>
    %broadcast_in_dim3A_170 = vector.shape_cast %reduce_sum3A_169 : vector<1xf32> to vector<1x1xf32>
    %div3A_171 = arith.constant 1.07374182E+9 : f32
    %div3A_172 = vector.broadcast %div3A_171 : f32 to vector<1x1xf32>
    %div3A_173 = arith.divf %broadcast_in_dim3A_170, %div3A_172 : vector<1x1xf32>
    %swap3A_174 = arith.constant 0 : index
    %swap3A_175 = arith.constant 0 : index
    %swap3A_176 = vector.load %arg3[%swap3A_174, %swap3A_175] : memref<1x1xf32, #tpu.memory_space<vmem>>, vector<1x1xf32>
    tpu.vector_store %arg3[%swap3A_174, %swap3A_175], %div3A_173 {strides = array<i32>} : memref<1x1xf32, #tpu.memory_space<vmem>>, vector<1x1xf32>,
    return
  }
}

</mosaic_0001>

<sc_bundles>
// kernel: kernel.5.cloned.1.call-start
scs
__scs_entry_jumppad:
0x0: {  	(pc) =	sbr.rel $0x88, $3  }
0x1: {  	(tag) =	ssettag $0x0;
	lr =	simm.s32 $0x1  }
0x2: {  	[smem:$0x3F9F] =	sst lr;
	_ =	strace $0xD0000000  }
0x3: {  	_ = 	snop  }
0x4: {  	_ = 	snop  }
0x5: {  	_ = 	snop  }
0x6: {  	_ = 	snop  }
0x7: {  	_ = 	snop  }
__scs_overlays_trampoline_lowered:
0x8: {  	[smem:$0x3FAE] =	sst s0  }
0x9: {  	[smem:$0x3FAF] =	sst s1  }
0xa: {  	[smem:$0x3FB0] =	sst s2  }
0xb: {  	[smem:$0x3FB1] =	sst s3  }
0xc: {  	[smem:$0x3FB2] =	sst s4  }
0xd: {  	[smem:$0x3FB3] =	sst s5  }
0xe: {  	[smem:$0x3FB4] =	sst s6  }
0xf: {  	[smem:$0x3FB5] =	sst s7  }
0x10: {  	[smem:$0x3FB6] =	sst s8  }
0x11: {  	[smem:$0x3FB7] =	sst s9;
	s0 =	simm.s32 @!p0 $0x0  }
0x12: {  	s1 =	sld [smem:$0x3F9D];
	s0 =	simm.s32 @p0 $0x1  }
0x13: {  	[smem:$0x3FB8] =	sst s0;
	s0 =	simm.s32 @!p1 $0x0  }
0x14: {  	s2 =	sld [smem:$0x3F9C];
	s0 =	simm.s32 @p1 $0x1  }
0x15: {  	[smem:$0x3FB9] =	sst s0;
	s0 =	simm.s32 @!p2 $0x0  }
0x16: {  	s3 =	sld [smem:$0x3FDB];
	s0 =	simm.s32 @p2 $0x1  }
0x17: {  	s4 =	simm.s32 $0x1BF5;
	[smem:$0x3FBB] =	sst s0  }
0x18: {  	s0 =	sld [smem:$0x3F9E];
	_ =	swait.ge [sflag:s4], $0x0  }
0x19: {  	s7 =	sld [smem:$0x3F9F]  }
0x1a: {  	s8 =	sadd.s32 $0xFFFFE003, lr  }
0x1b: {  	s9 =	sadd.s32 $0xFFFFFEF7, lr;
	s5 =	simm.s32 $0xFFFFFFFF;
	p2 =	slt.u32 s8, $0xFFFFF086  }
0x1c: {  	p1 =	slt.u32 s9, $0xF7A;
	s5 =	simm.s32 @!p2 $0x0  }
0x1d: {  	s5 =	simm.s32 @p1 $0x1;
	p0 =	seq.s32 s7, s2  }
0x1e: {  	s7 =	smul.u32 @!p0 $0xF7A, s2;
	p2 =	seq.s32 @!p0 s5, $0x0  }
0x1f: {  	s9 =	smul.u32 $0xF7A, s1;
	s8 =	simm.s32 @!p0 $0x1BF5;
	p2 =	por !p2, p0  }
0x20: {  	[sflag:s8] =	ssyncset.s32 @!p0 $0xFFFFF086;
	s6 =	sadd.s32 @!p0 s3, s7;
	s7 =	simm.s32 @!p0 $0x108  }
0x21: {  	s3 =	sadd.s32 s3, s9;
	s6 =	sadd.s32 @!p0 $0x88, s6;
	s7 =	simm.s32 @p2 $0x1082  }
0x22: {  	[simem:s7], [sflag:s8] =	dma.local @!p0 [hbm:s6], $0xF7A  }
0x23: {  	s9 =	sor.u32 $0xD0000000, s2;
	s6 =	simm.s32 $0x108;
	_ =	swait.ge @!p0 [sflag:s8], $0x0  }
0x24: {  	s3 =	sadd.s32 $0x88, s3;
	s6 =	simm.s32 @!p1 $0x1082;
	[sflag:s4] =	ssyncset.s32 $0xFFFFF086  }
0x25: {  	[simem:s6], [sflag:s4] =	dma.local [hbm:s3], $0xF7A  }
0x26: {  	[smem:$0x3F9F] =	sst s1;
	(tag) =	ssettag s2;
	_ =	strace s9  }
0x27: {  	s1 =	sld [smem:$0x3FAF]  }
0x28: {  	s2 =	sld [smem:$0x3FB0]  }
0x29: {  	s4 =	sld [smem:$0x3FB2]  }
0x2a: {  	p0 =	seq.s32 s5, $0x0;
	s5 =	sld [smem:$0x3FB3]  }
0x2b: {  	s6 =	sld [smem:$0x3FB4]  }
0x2c: {  	s7 =	sld [smem:$0x3FB5]  }
0x2d: {  	s3 =	simm.s32 $0x108;
	s8 =	sld [smem:$0x3FB6]  }
0x2e: {  	s3 =	simm.s32 @!p0 $0x1082;
	s9 =	sld [smem:$0x3FB7]  }
0x2f: {  	lr =	sadd.s32 s0, s3;
	s0 =	sld [smem:$0x3FAE]  }
0x30: {  	s3 =	sld [smem:$0x3FB1]  }
0x31: {  	[smem:$0x3FBA] =	sst s10  }
0x32: {  	s10 =	sld [smem:$0x3FB8];
	_ =	sdelay $0x3  }
0x33: {  	p0 =	seq.s32 s10, $0x1;
	s10 =	sld [smem:$0x3FBA];
	_ =	sdelay $0x3  }
0x34: {  	[smem:$0x3FBA] =	sst s10  }
0x35: {  	s10 =	sld [smem:$0x3FB9];
	_ =	sdelay $0x3  }
0x36: {  	p1 =	seq.s32 s10, $0x1;
	s10 =	sld [smem:$0x3FBA];
	_ =	sdelay $0x3  }
0x37: {  	[smem:$0x3FBA] =	sst s10  }
0x38: {  	s10 =	sld [smem:$0x3FBB]  }
0x39: {  	_ = 	snop;
	(pc) =	sbr.ind lr, $3  }
0x3a: {  	_ = 	snop  }
0x3b: {  	_ = 	snop  }
0x3c: {  	p2 =	seq.s32 s10, $0x1;
	s10 =	sld [smem:$0x3FBA]  }
0x3d: {  	_ =	shalt  }
0x3e: {  	_ =	shalt  }
0x3f: {  	_ =	shalt  }
0x40: {  	_ =	shalt  }
0x41: {  	_ =	shalt  }
0x42: {  	_ =	shalt  }
0x43: {  	_ =	shalt  }
0x44: {  	_ =	shalt  }
0x45: {  	_ =	shalt  }
0x46: {  	_ =	shalt  }
0x47: {  	_ =	shalt  }
0x48: {  	_ =	shalt  }
0x49: {  	_ =	shalt  }
0x4a: {  	_ =	shalt  }
0x4b: {  	_ =	shalt  }
0x4c: {  	_ =	shalt  }
0x4d: {  	_ =	shalt  }
0x4e: {  	_ =	shalt  }
0x4f: {  	_ =	shalt  }
0x50: {  	_ =	shalt  }
0x51: {  	_ =	shalt  }
0x52: {  	_ =	shalt  }
0x53: {  	_ =	shalt  }
0x54: {  	_ =	shalt  }
0x55: {  	_ =	shalt  }
0x56: {  	_ =	shalt  }
0x57: {  	_ =	shalt  }
0x58: {  	_ =	shalt  }
0x59: {  	_ =	shalt  }
0x5a: {  	_ =	shalt  }
0x5b: {  	_ =	shalt  }
0x5c: {  	_ =	shalt  }
0x5d: {  	_ =	shalt  }
0x5e: {  	_ =	shalt  }
0x5f: {  	_ =	shalt  }
0x60: {  	_ =	shalt  }
0x61: {  	_ =	shalt  }
0x62: {  	_ =	shalt  }
0x63: {  	_ =	shalt  }
0x64: {  	_ =	shalt  }
0x65: {  	_ =	shalt  }
0x66: {  	_ =	shalt  }
0x67: {  	_ =	shalt  }
0x68: {  	_ =	shalt  }
0x69: {  	_ =	shalt  }
0x6a: {  	_ =	shalt  }
0x6b: {  	_ =	shalt  }
0x6c: {  	_ =	shalt  }
0x6d: {  	_ =	shalt  }
0x6e: {  	_ =	shalt  }
0x6f: {  	_ =	shalt  }
0x70: {  	_ =	shalt  }
0x71: {  	_ =	shalt  }
0x72: {  	_ =	shalt  }
0x73: {  	_ =	shalt  }
0x74: {  	_ =	shalt  }
0x75: {  	_ =	shalt  }
0x76: {  	_ =	shalt  }
0x77: {  	_ =	shalt  }
0x78: {  	_ =	shalt  }
0x79: {  	_ =	shalt  }
0x7a: {  	_ =	shalt  }
0x7b: {  	_ =	shalt  }
0x7c: {  	_ =	shalt  }
0x7d: {  	_ =	shalt  }
0x7e: {  	_ =	shalt  }
0x7f: {  	_ =	shalt  }
0x80: {  	_ =	shalt  }
0x81: {  	_ =	shalt  }
0x82: {  	_ =	shalt  }
0x83: {  	_ =	shalt  }
0x84: {  	_ =	shalt  }
0x85: {  	_ =	shalt  }
0x86: {  	_ =	shalt  }
0x87: {  	_ =	shalt  }
.Lfunc_end0:
.L_simem_size_0:
called_computation.1_lowered:
.L_overlay_start_0:
0x88: {  	s2 =	sld [smem:$0x3FD9]  }
0x89: {  	s3 =	sld [smem:$0x3FFE];
	_ =	sdelay $0x1  }
0x8a: {  	s1 =	srdreg.scid  }
0x8b: {  	s0 =	sand.u32 $0x1, s1  }
0x8c: {  	s15 =	sshll.u32 s0, $0xA;
	s2 =	sadd.s32 s3, s2  }
0x8d: {  	s2 =	sadd.s32 s2, s15  }
0x8e: {  	[smem:$0x3FC6] =	sst s2  }
0x8f: {  	_ = 	snop  }
0x90: {  	s2 =	sld [smem:$0x3FD0];
	_ =	sdelay $0x2  }
0x91: {  	s16 =	simm.s32 $0xB;
	s4 =	simm.s32 $0x10  }
0x92: {  	[smem:s4], [sflag:s16] =	dma.local [hbm:s2], $0x1  }
0x93: {  	_ =	swait.eq [sflag:s16], $0x1  }
0x94: {  	[sflag:s16] =	ssyncset.done $0x0  }
0x95: {  	[sflag:s16] =	ssyncadd.s32 $0xFFFFFFFF  }
0x96: {  	s17 =	sld [smem:$0x11];
	(tm) =	ssettm $0x1  }
0x97: {  	s18 =	sld [smem:$0x3FFB];
	_ =	sdelay $0x3  }
0x98: {  	_ =	strace s18  }
0x99: {  	s2 =	sld [smem:$0x3FFC];
	_ =	sdelay $0x3  }
0x9a: {  	_ =	strace s2  }
0x9b: {  	s2 =	sld [smem:$0x3FFD];
	_ =	sdelay $0x3  }
0x9c: {  	_ =	strace s2  }
0x9d: {  	_ =	strace $0x8FFFFFFF  }
0x9e: {  	s19 =	sld [smem:$0x3FDB];
	_ =	sdelay $0x1  }
0x9f: {  	s20 =	simm.s32 $_scs_section_size  }
0xa0: {  	s5 =	simm.s32 $_size__tile_overlayer_lowered;
	s6 =	simm.s32 $_tile_overlayer_lowered  }
0xa1: {  	s7 =	simm.s32 $0x1BFF;
	s21 =	sshll.u32 s6, $0x1;
	s4 =	sadd.s32 s20, s19  }
0xa2: {  	s22 =	simm.s32 $0x0;
	s5 =	sshll.u32 s5, $0x1;
	s6 =	sadd.s32 s21, s4  }
0xa3: {  	[timem:s22], [sflag:s7] =	dma.local [hbm:s6], s5  }
0xa4: {  	_ =	swait.ge [sflag:s7], s5  }
0xa5: {  	s5 =	ssub.s32 $0x0, s5;
	[sflag:s7] =	ssyncset.done $0x0  }
0xa6: {  	[sflag:s7] =	ssyncadd.s32 s5;
	_ =	sdelay $0x1  }
0xa7: {  	s23 =	simm.s32 $0x1B8B  }
0xa8: {  	_ =	swait.ge [sflag:s23], $0x1  }
0xa9: {  	[sflag:s23] =	ssyncset.done $0x0  }
0xaa: {  	[sflag:s23] =	ssyncadd.s32 $0xFFFFFFFF  }
0xab: {  	s5 =	sld [smem:$0x0]  }
0xac: {  	s6 =	sand.u32 $0xFFFFFFFE, s1  }
0xad: {  	p0 =	sne.s32 s1, s6  }
0xae: {  	s6 =	sshll.u32 @p0 s6, $0xE  }
0xaf: {  	s6 =	sadd.s32 @p0 $0x11B8D, s6;
	s7 =	sshll.u32 @p0 s5, $0x11  }
0xb0: {  	s6 =	sor.u32 @p0 s7, s6  }
0xb1: {  	[sflag:s6] =	ssyncadd.remote.s32 @p0 $0x1;
	_ =	sdelay $0x1  }
0xb2: {  	s6 =	simm.s32 @p0 $0x1B8D  }
0xb3: {  	_ =	swait.eq @p0 [sflag:s6], $0x1  }
0xb4: {  	[sflag:s6] =	ssyncadd.s32 @p0 $0xFFFFFFFF  }
0xb5: {  	s7 =	sshll.u32 @!p0 s1, $0xE  }
0xb6: {  	s7 =	sor.u32 @!p0 $0x4000, s7;
	s6 =	simm.s32 @!p0 $0x1B8D  }
0xb7: {  	s5 =	sshll.u32 @!p0 s5, $0x11;
	s7 =	sadd.s32 @!p0 $0x11B8D, s7;
	_ =	swait.eq @!p0 [sflag:s6], $0x1  }
0xb8: {  	s5 =	sor.u32 @!p0 s5, s7;
	[sflag:s6] =	ssyncadd.s32 @!p0 $0xFFFFFFFF  }
0xb9: {  	s25 =	simm.s32 $0x1B8E;
	s24 =	sld [smem:$0x3FFE];
	[sflag:s5] =	ssyncadd.remote.s32 @!p0 $0x1  }
0xba: {  	s26 =	simm.s32 $execute0_lowered;
	[smem:$0x3FD2] =	sst s25  }
0xbb: {  	s6 =	sshll.u32 s26, $0x1;
	_ =	strace $0x80000049;
	[dreg:$0x1] =	wrdreg $0xFFFFFFFF  }
0xbc: {  	s28 =	simm.s32 $_size_execute0_lowered;
	s4 =	sadd.s32 s4, s6;
	[dreg:$0x0] =	wrdreg $0x0  }
0xbd: {  	s6 =	sshll.u32 s28, $0x1;
	[dreg:$0x2] =	wrdreg s4  }
0xbe: {  	[dreg:$0x3] =	wrdreg s6  }
0xbf: {  	[dreg:$0x4] =	wrdreg $0xC0  }
0xc0: {  	_ =	task [dreg:s22], $0x5FFFF  }
0xc1: {  	[dreg:$0x1] =	wrdreg $0xFFFFFFFF  }
0xc2: {  	[dreg:$0x0] =	wrdreg $0x60  }
0xc3: {  	[dreg:$0x2] =	wrdreg s24  }
0xc4: {  	[dreg:$0x3] =	wrdreg s17  }
0xc5: {  	[dreg:$0x4] =	wrdreg $0xA  }
0xc6: {  	_ =	task.clear_ibuf [dreg:s22], $0x5FFFF;
	_ =	strace $0x90000049  }
0xc7: {  	s29 =	simm.s32 $0xA;
	_ =	strace $0x8000004B  }
0xc8: {  	_ =	swait.ge [sflag:s29], $0x1  }
0xc9: {  	[sflag:s29] =	ssyncadd.s32 $0xFFFFFFFF  }
0xca: {  	_ =	strace $0x9000004B  }
0xcb: {  	_ =	sfence  }
0xcc: {  	s30 =	sld [smem:$0x0];
	_ =	sdelay $0x2  }
0xcd: {  	s31 =	sshll.u32 s1, $0xD;
	s1 =	sshrl.u32 s1, $0x2  }
0xce: {  	s4 =	sand.u32 $0x4000, s31;
	s1 =	sadd.s32 s1, s30  }
0xcf: {  	s0 =	sor.u32 s4, s0;
	s1 =	sshll.u32 s1, $0x11  }
0xd0: {  	s0 =	sor.u32 s1, s0  }
0xd1: {  	s0 =	sadd.s32 $0x8F2B, s0  }
0xd2: {  	[sflag:s0] =	ssyncadd.remote.s32 $0x1  }
0xd3: {  	_ =	sfence.sel $0xFFFF  }
0xd4: {  	[dreg:$0x0] =	wrdreg $0xFFFFFFFF;
	(pc) =	sbr.abs _section_cstart, $3  }
0xd5: {  	[dreg:$0x1] =	wrdreg $0xFFFFFFFF  }
0xd6: {  	_ =	task.clear_ibuf [dreg:s22], $0x2FFFF;
	_ =	strace $0x9FFFFFFF  }
0xd7: {  	(tm) =	ssettm $0x7FFFFFFF  }
tec
execute0_lowered:
.L_overlay_start_1:
0x0: {  	(tag) =	ssettag $0x1  }
0x1: {  	s3 =	rddreg [dreg:$0x0]  }
0x2: {  	s5 =	rddreg [dreg:$0x1];
	s2 =	srdreg.scid  }
0x3: {  	s0 =	rddreg [dreg:$0x2];
	s1 =	stileid.u32;
	s9 =	simm.s32 $0x200  }
0x4: {  	s10 =	simm.s32 $0x0;
	s6 =	sand.u32 $0x1, s2;
	s2 =	simm.s32 $0x0  }
0x5: {  	s4 =	sshll.u32 s1, $0x6;
	s8 =	sshll.u32 s1, $0x12;
	s7 =	sshll.u32 s6, $0x5  }
0x6: {  	[smem:$0x7FF] =	sst s2;
	s30 =	ssub.s32 $0x2, s6;
	s8 =	sadd.s32 s8, s5  }
0x7: {  	s6 =	sshll.u32 s6, $0x11;
	s4 =	sor.u32 s7, s4;
	_ =	strace $0x8000004A  }
0x8: {  	v0 =	vlaneseq.u32;
	s31 =	sshrl.u32 s30, $0x1;
	s6 =	sadd.s32 s6, s8;
	s4 =	sadd.s32 s4, s3  }
0x9: {  	v1 =	vshrl.u32 v0, $0x1;
	s8 =	simm.s32 $0x100;
	s7 =	ssub.s32 s30, s31;
	s3 =	sadd.s32 $0x11600, s4  }
0xa: {  	v0 =	vimm.f32 $0.0e+00;
	v1 =	vmul.u32 $0x2000, v1;
	s4 =	sadd.s32 $0x11A00, s4;
	s5 =	smax.u32 s7, $0x1;
	s7 =	simm.s32 $0x1  }
.LBB2_1:
0xb: {  	[tilespmem:s2], [sflag:$0x1] =	stream.linear.gather [hbm4b:s3+s2], $0x100, $0x38;
	[tilespmem:$0x10200] =	vst v63  }
0xc: {  	_ =	swait.ge [sflag:s7], $0x100  }
0xd: {  	[sflag:s7] =	ssyncset.done $0x0  }
0xe: {  	[sflag:s7] =	ssyncadd.s32 $0xFFFFFF00  }
0xf: {  	[tilespmem:s8], [sflag:$0x1] =	stream.linear.gather [hbm4b:s4+s2], $0x100, $0x38;
	[tilespmem:$0x10200] =	vst v63  }
0x10: {  	_ =	swait.ge [sflag:s7], $0x100  }
0x11: {  	[sflag:s7] =	ssyncset.done $0x0  }
0x12: {  	s11 =	simm.s32 $0x0;
	[sflag:s7] =	ssyncadd.s32 $0xFFFFFF00  }
.LBB2_2:
0x13: {  	p0 =	sne.s32 s11, $0x3FFC0  }
.Ltmp0:
0x14: {  	_ = 	snop;
	(pc) =	sbr.rel @p0 .LBB2_2-.Ltmp0, $3  }
0x15: {  	_ =	sdelay $0x1  }
0x16: {  	s12 =	sshra.s32 s11, $0x2  }
0x17: {  	s11 =	sadd.s32 $0x40, s11;
	[tilespmem:s12+$0x200] =	vst v0  }
0x18: {  	s11 =	simm.s32 $0x0  }
0x19: {  	v2 =	vld [tilespmem:s11+$0x0];
	_ =	sdelay $0x4  }
0x1a: {  	v3 =	vld [tilespmem:s11+$0x100];
	v2 =	vadd.s32 v1, v2;
	_ =	sdelay $0x4  }
0x1b: {  	[tilespmem:v2+s9+$0x0] =	vst.idx.msk $0xffff, v3  }
0x1c: {  	[hbm4b:s6+s2] =	stream.linear.scatter [tilespmem:s9], [sflag:$0x1], $0x10000, $0x38;
	[tilespmem:$0x10200] =	vst v63  }
0x1d: {  	_ =	swait.ge [sflag:s7], $0x10000  }
0x1e: {  	s12 =	simm.s32 $0x40;
	[sflag:s7] =	ssyncset.done $0x0  }
0x1f: {  	s13 =	simm.s32 $0x80;
	s11 =	smov.u32 s6;
	[sflag:s7] =	ssyncadd.s32 $0xFFFF0000  }
.LBB2_4:
0x20: {  	s14 =	sshra.s32 s12, $0x2  }
0x21: {  	[tilespmem:v2+s9+$0x0] =	vst.idx.msk $0xffff, v0;
	s11 =	sadd.s32 $0x2000, s11;
	s12 =	smov.u32 s13;
	s15 =	sadd.s32 $0x40, s13  }
0x22: {  	p0 =	sne.s32 s13, $0x3C0;
	v2 =	vld [tilespmem:s14+$0x0];
	_ =	sdelay $0x4  }
0x23: {  	v2 =	vadd.s32 v1, v2;
	v3 =	vld [tilespmem:s14+$0x100];
	_ =	sdelay $0x4  }
.Ltmp1:
0x24: {  	[tilespmem:v2+s9+$0x0] =	vst.idx.msk $0xffff, v3;
	(pc) =	sbr.rel @p0 .LBB2_4-.Ltmp1, $4  }
0x25: {  	[hbm4b:s11+s2] =	stream.linear.scatter [tilespmem:s9], [sflag:$0x1], $0x10000, $0x38;
	[tilespmem:$0x10200] =	vst v63  }
0x26: {  	_ =	swait.ge [sflag:s7], $0x10000  }
0x27: {  	[sflag:s7] =	ssyncset.done $0x0  }
0x28: {  	s13 =	smov.u32 s15;
	[sflag:s7] =	ssyncadd.s32 $0xFFFF0000  }
0x29: {  	_ =	sdelay $0x3  }
0x2a: {  	s12 =	sshra.s32 s12, $0x2;
	[tilespmem:v2+s9+$0x0] =	vst.idx.msk $0xffff, v0  }
0x2b: {  	v2 =	vld [tilespmem:s12+$0x0];
	_ =	sdelay $0x4  }
0x2c: {  	v3 =	vld [tilespmem:s12+$0x100];
	v2 =	vadd.s32 v1, v2;
	_ =	sdelay $0x3  }
0x2d: {  	s10 =	sadd.s32 $0x1, s10  }
0x2e: {  	s11 =	sadd.s32 $0x2000, s11;
	p0 =	sne.s32 s10, s5;
	[tilespmem:v2+s9+$0x0] =	vst.idx.msk $0xffff, v3  }
0x2f: {  	[hbm4b:s11+s2] =	stream.linear.scatter [tilespmem:s9], [sflag:$0x1], $0x10000, $0x38;
	[tilespmem:$0x10200] =	vst v63  }
.Ltmp2:
0x30: {  	_ = 	snop;
	(pc) =	sbr.rel @p0 .LBB2_1-.Ltmp2, $4  }
0x31: {  	_ =	swait.ge [sflag:s7], $0x10000  }
0x32: {  	[sflag:s7] =	ssyncset.done $0x0  }
0x33: {  	[sflag:s7] =	ssyncadd.s32 $0xFFFF0000  }
0x34: {  	[tilespmem:v2+s9+$0x0] =	vst.idx.msk $0xffff, v0  }
0x35: {  	_ =	sfence.sel $0x180000  }
0x36: {  	[bflag:$0x0] =	sbarrier.arrive $0xFFFF  }
0x37: {  	p0 =	sne.s32 s1, $0x0;
	_ =	strace $0x9000004A  }
0x38: {  	s0 =	sadd.s32 @!p0 $0x100000, s0;
	[bflag:$0x2] =	sbarrier.arrive $0xFFFF  }
0x39: {  	[sflag:s0] =	ssyncadd.tile.s32 @!p0 $0x1;
	_ =	shalt  }
.Lfunc_end2:
_tile_overlayer_lowered:
.L_overlay_start_2:
0x3a: {  	(tag) =	ssettag $0x2  }
0x3b: {  	s0 =	rddreg [dreg:$0x0];
	s2 =	stileid.u32  }
0x3c: {  	s1 =	rddreg [dreg:$0x1];
	p0 =	sne.s32 s2, $0x0  }
0x3d: {  	s3 =	rddreg [dreg:$0x2];
	[bflag:$0x3] =	sbarrier.arrive $0xFFFF;
	s2 =	simm.s32 @!p0 $0x1C01  }
0x3e: {  	[timem:s3], [sflag:s2] =	dma.local @!p0 [hbm:s0], s1  }
0x3f: {  	s0 =	simm.s32 @!p0 $0x1  }
0x40: {  	_ =	swait.ge @!p0 [sflag:s0], s1  }
0x41: {  	s1 =	ssub.s32 @!p0 $0x0, s1;
	[sflag:s0] =	ssyncset.done @!p0 $0x0  }
0x42: {  	[sflag:s0] =	ssyncadd.s32 @!p0 s1  }
0x43: {  	[bflag:$0x3] =	sbarrier.arrive $0xFFFF  }
0x44: {  	_ =	shalt  }

// kernel: sparse-core-data-format-call.cloned.1.call-start
scs
called_computation_lowered:
.L_overlay_start_0:
0x0: {  	s2 =	sld [smem:$0x3FD9]  }
0x1: {  	s3 =	sld [smem:$0x3FFE];
	_ =	sdelay $0x1  }
0x2: {  	s1 =	srdreg.scid  }
0x3: {  	s0 =	sand.u32 $0x1, s1  }
0x4: {  	s15 =	sshll.u32 s0, $0xA;
	s2 =	sadd.s32 s3, s2  }
0x5: {  	s2 =	sadd.s32 s2, s15  }
0x6: {  	[smem:$0x3FC6] =	sst s2  }
0x7: {  	_ = 	snop  }
0x8: {  	s2 =	sld [smem:$0x3FD0];
	_ =	sdelay $0x2  }
0x9: {  	s16 =	simm.s32 $0xB;
	s4 =	simm.s32 $0x10  }
0xa: {  	[smem:s4], [sflag:s16] =	dma.local [hbm:s2], $0x1  }
0xb: {  	_ =	swait.eq [sflag:s16], $0x1  }
0xc: {  	[sflag:s16] =	ssyncset.done $0x0  }
0xd: {  	[sflag:s16] =	ssyncadd.s32 $0xFFFFFFFF  }
0xe: {  	s17 =	sld [smem:$0x12];
	(tm) =	ssettm $0x1  }
0xf: {  	s18 =	sld [smem:$0x3FFB];
	_ =	sdelay $0x3  }
0x10: {  	_ =	strace s18  }
0x11: {  	s3 =	sld [smem:$0x3FFC];
	_ =	sdelay $0x3  }
0x12: {  	_ =	strace s3  }
0x13: {  	s3 =	sld [smem:$0x3FFD];
	_ =	sdelay $0x3  }
0x14: {  	_ =	strace s3  }
0x15: {  	_ =	strace $0x8FFFFFFF  }
0x16: {  	s19 =	sld [smem:$0x3FDB];
	_ =	sdelay $0x1  }
0x17: {  	s20 =	simm.s32 $_scs_section_size  }
0x18: {  	s5 =	simm.s32 $_size__tile_overlayer_lowered;
	s6 =	simm.s32 $_tile_overlayer_lowered  }
0x19: {  	s23 =	simm.s32 $0x1BFF;
	s22 =	sshll.u32 s6, $0x1;
	s3 =	sadd.s32 s20, s19  }
0x1a: {  	s7 =	simm.s32 $0x0;
	s21 =	sshll.u32 s5, $0x1;
	s5 =	sadd.s32 s22, s3  }
0x1b: {  	[timem:s7], [sflag:s23] =	dma.local [hbm:s5], s21  }
0x1c: {  	_ =	swait.ge [sflag:s23], s21  }
0x1d: {  	s4 =	ssub.s32 $0x0, s21;
	[sflag:s23] =	ssyncset.done $0x0  }
0x1e: {  	[sflag:s23] =	ssyncadd.s32 s4;
	_ =	sdelay $0x1  }
0x1f: {  	s24 =	simm.s32 $0x1B8B  }
0x20: {  	_ =	swait.ge [sflag:s24], $0x1  }
0x21: {  	[sflag:s24] =	ssyncset.done $0x0  }
0x22: {  	s26 =	simm.s32 $0x1B8E;
	s25 =	sld [smem:$0x3FFE];
	[sflag:s24] =	ssyncadd.s32 $0xFFFFFFFF  }
0x23: {  	s27 =	simm.s32 $execute0_lowered;
	[smem:$0x3FD2] =	sst s26  }
0x24: {  	s5 =	sshll.u32 s27, $0x1;
	_ =	strace $0x80000046;
	[dreg:$0x1] =	wrdreg $0xFFFFFFFF  }
0x25: {  	s28 =	simm.s32 $_size_execute0_lowered;
	s3 =	sadd.s32 s3, s5;
	[dreg:$0x0] =	wrdreg $0x0  }
0x26: {  	s5 =	sshll.u32 s28, $0x1;
	[dreg:$0x2] =	wrdreg s3  }
0x27: {  	[dreg:$0x3] =	wrdreg s5  }
0x28: {  	[dreg:$0x4] =	wrdreg $0xC0  }
0x29: {  	_ =	task [dreg:s7], $0x5FFFF  }
0x2a: {  	[dreg:$0x1] =	wrdreg $0xFFFFFFFF  }
0x2b: {  	[dreg:$0x0] =	wrdreg $0x60  }
0x2c: {  	[dreg:$0x2] =	wrdreg s25  }
0x2d: {  	[dreg:$0x3] =	wrdreg s17  }
0x2e: {  	[dreg:$0x4] =	wrdreg $0x9  }
0x2f: {  	_ =	task.clear_ibuf [dreg:s7], $0x5FFFF;
	_ =	strace $0x90000046  }
0x30: {  	s29 =	simm.s32 $0x9;
	_ =	strace $0x80000048  }
0x31: {  	_ =	swait.ge [sflag:s29], $0x1  }
0x32: {  	[sflag:s29] =	ssyncadd.s32 $0xFFFFFFFF  }
0x33: {  	_ =	strace $0x90000048  }
0x34: {  	_ =	sfence  }
0x35: {  	s30 =	sld [smem:$0x0];
	_ =	sdelay $0x2  }
0x36: {  	s31 =	sshll.u32 s1, $0xD;
	s1 =	sshrl.u32 s1, $0x2  }
0x37: {  	s3 =	sand.u32 $0x4000, s31;
	s1 =	sadd.s32 s1, s30  }
0x38: {  	s0 =	sor.u32 s3, s0;
	s1 =	sshll.u32 s1, $0x11  }
0x39: {  	s0 =	sor.u32 s1, s0  }
0x3a: {  	s0 =	sadd.s32 $0x8F2B, s0  }
0x3b: {  	[sflag:s0] =	ssyncadd.remote.s32 $0x1  }
0x3c: {  	_ =	sfence.sel $0xFFFF  }
0x3d: {  	[dreg:$0x0] =	wrdreg $0xFFFFFFFF;
	(pc) =	sbr.abs _section_cstart, $3  }
0x3e: {  	[dreg:$0x1] =	wrdreg $0xFFFFFFFF  }
0x3f: {  	_ =	task.clear_ibuf [dreg:s7], $0x2FFFF;
	_ =	strace $0x9FFFFFFF  }
0x40: {  	(tm) =	ssettm $0x7FFFFFFF  }
0x41: {  	_ =	shalt  }
tec
execute0_lowered:
.L_overlay_start_1:
0x0: {  	(tag) =	ssettag $0x1  }
0x1: {  	s4 =	rddreg [dreg:$0x0]  }
0x2: {  	s2 =	rddreg [dreg:$0x1]  }
0x3: {  	s0 =	rddreg [dreg:$0x2];
	_ =	strace $0x80000047  }
0x4: {  	s3 =	srdreg.scid;
	s1 =	stileid.u32;
	s6 =	simm.s32 $0x2  }
.Ltmp0:
0x5: {  	s11 =	simm.s32 $0x0;
	s7 =	simm.s32 $0x800;
	(pc) =	sbr.rel .LBB1_1-.Ltmp0, $4  }
0x6: {  	s12 =	simm.s32 $0x0;
	s9 =	simm.s32 $0x0;
	s5 =	sshll.u32 s3, $0x4  }
0x7: {  	s8 =	simm.s32 $0x0;
	s3 =	simm.s32 $0x1;
	s5 =	sand.u32 $0x10, s5  }
0x8: {  	s4 =	sadd.s32 $0x21600, s4;
	[sflag:s3] =	ssyncpa.u1 $0x0;
	s5 =	sor.u32 s1, s5  }
0x9: {  	[sflag:s6] =	ssyncpa.u1 $0x0;
	s6 =	simm.s32 $0x400;
	s10 =	smov.u32 s5  }
.LBB1_9:
0xa: {  	s13 =	sadd.s32 $0x20, s9  }
0xb: {  	s11 =	sadd.s32 $0x20, s10;
	s15 =	smov.u32 s10;
	p1 =	sgt.s32 s13, $0x3F  }
0xc: {  	p0 =	slt.u32 s8, $0x2;
	s15 =	smov.u32 @p1 s11  }
0xd: {  	s8 =	sadd.s32 $0x1, s8;
	s13 =	simm.s32 @p1 $0x0;
	p1 =	sgt.s32 s15, $0x1FF  }
0xe: {  	s15 =	smov.u32 @p1 s5;
	p1 =	sne.s32 s8, $0x22  }
.Ltmp1:
0xf: {  	_ = 	snop;
	(pc) =	sbr.rel @!p1 .LBB1_10-.Ltmp1, $4  }
0x10: {  	s14 =	simm.s32 @!p0 $0x2  }
0x11: {  	_ =	swait.ge @!p0 [sflag:s14], $0x2000  }
0x12: {  	s12 =	smov.u32 s10;
	s11 =	smov.u32 s9;
	[sflag:s14] =	ssyncset.done @!p0 $0x0  }
0x13: {  	s9 =	smov.u32 s13;
	[sflag:s14] =	ssyncadd.s32 @!p0 $0xFFFFE000;
	s10 =	smov.u32 s15  }
.LBB1_1:
0x14: {  	p0 =	sgt.u32 s8, $0x1F  }
0x15: {  	s13 =	sxor.u32 @!p0 $0xFFFFFFFF, s8;
	s14 =	sshll.u32 @!p0 s10, $0xB  }
0x16: {  	s15 =	sshll.u32 @!p0 s9, $0x5;
	s14 =	sadd.s32 @!p0 s4, s14;
	s13 =	sshll.u32 @!p0 s13, $0xD  }
0x17: {  	s14 =	sadd.s32 @!p0 s15, s14;
	s13 =	sand.u32 @!p0 $0x2000, s13;
	s15 =	simm.s32 @!p0 $0x0  }
0x18: {  	[tilespmem:s13], [sflag:$0x1] =	stream.linear.gather @!p0 [hbm4b:s14+s15], $0x2000, $0x38;
	[tilespmem:$0x8000] =	vst v63  }
0x19: {  	p0 =	seq.s32 s8, $0x0  }
0x1a: {  	p1 =	seq.s32 @!p0 s8, $0x21  }
0x1b: {  	p0 =	por p0, p1  }
.Ltmp2:
0x1c: {  	_ = 	snop;
	(pc) =	sbr.rel @p0 .LBB1_9-.Ltmp2, $1  }
0x1d: {  	_ =	sdelay $0x3  }
0x1e: {  	_ =	swait.ge [sflag:s3], $0x2000;
	s13 =	sshll.u32 s8, $0xD  }
0x1f: {  	[sflag:s3] =	ssyncset.done $0x0;
	s14 =	sand.u32 $0x2000, s13  }
0x20: {  	s15 =	simm.s32 $0x0;
	[sflag:s3] =	ssyncadd.s32 $0xFFFFE000;
	s13 =	sor.u32 $0x4000, s14  }
.LBB1_3:
0x21: {  	s16 =	sshll.u32 s15, $0x8  }
0x22: {  	s16 =	sand.u32 $0x3FFFFF00, s16  }
0x23: {  	s16 =	sadd.s32 s16, s14  }
0x24: {  	s17 =	sadd.s32 $0x100, s16;
	v0 =	vmov s16  }
0x25: {  	v1 =	vmov s17  }
0x26: {  	s18 =	sadd.s32 $0x200, s16;
	s19 =	sadd.s32 $0x300, s16  }
0x27: {  	p1 =	por $0x1, $0x1;
	s16 =	sshll.u32 s15, $0x7;
	v2 =	vmov s18;
	v3 =	vmov s19;
	s18 =	simm.s32 $0x0  }
.LBB1_4:
0x28: {  	s17 =	sshll.u32 s18, $0xA  }
0x29: {  	s19 =	sand.u32 $0x3FFFFC00, s17  }
0x2a: {  	p0 =	por p1, p1;
	p1 =	por $0x1, $0x1;
	s19 =	sadd.s32 s19, s13  }
0x2b: {  	s20 =	sadd.s32 $0x400, s19;
	s21 =	sadd.s32 $0x800, s19;
	s22 =	sadd.s32 $0xC00, s19;
	v4 =	vmov s19  }
0x2c: {  	s17 =	sshll.u32 s18, $0x7;
	s18 =	sshll.u32 s18, $0x5;
	s19 =	simm.s32 $0x0;
	v5 =	vmov s20;
	v6 =	vmov s21;
	v7 =	vmov s22  }
.LBB1_5:
0x2d: {  	s20 =	sor.u32 s18, s19  }
0x2e: {  	v8 =	vld.idx.msk [tilespmem:v0+s20+$0x0 ss:$0x1], $0xffff  }
0x2f: {  	v9 =	vld.idx.msk [tilespmem:v1+s20+$0x0 ss:$0x1], $0xffff;
	_ =	sdelay $0x1  }
0x30: {  	v10 =	vld.idx.msk [tilespmem:v2+s20+$0x0 ss:$0x1], $0xffff  }
0x31: {  	v13 =	vld.idx.msk [tilespmem:v3+s20+$0x0 ss:$0x1], $0xffff  }
0x32: {  	v24 =	vld.idx.msk [tilespmem:v0+s20+$0x10 ss:$0x1], $0xffff;
	v11 =	vshrl.u32 v8, $0x10;
	v12 =	vshrl.u32 v8, $0x8  }
0x33: {  	v14 =	vshrl.u32 v8, $0x18;
	v8 =	vand.u32 $0xFF, v8;
	v15 =	vshrl.u32 v9, $0x10  }
0x34: {  	v38 =	vld.idx.msk [tilespmem:v1+s20+$0x10 ss:$0x1], $0xffff;
	v16 =	vshrl.u32 v9, $0x8;
	v17 =	vshrl.u32 v9, $0x18;
	v9 =	vand.u32 $0xFF, v9  }
0x35: {  	v43 =	vld.idx.msk [tilespmem:v2+s20+$0x10 ss:$0x1], $0xffff;
	v18 =	vshrl.u32 v10, $0x10;
	v19 =	vshrl.u32 v10, $0x8;
	v20 =	vshrl.u32 v10, $0x18  }
0x36: {  	v46 =	vld.idx.msk [tilespmem:v3+s20+$0x10 ss:$0x1], $0xffff;
	v10 =	vand.u32 $0xFF, v10;
	v21 =	vshrl.u32 v13, $0x18;
	v22 =	vshrl.u32 v13, $0x10  }
0x37: {  	v23 =	vshrl.u32 v13, $0x8;
	v13 =	vand.u32 $0xFF, v13;
	v44 =	vshrl.u32 v24, $0x10  }
0x38: {  	v45 =	vshrl.u32 v24, $0x8;
	v47 =	vshrl.u32 v24, $0x18;
	v48 =	vand.u32 $0xFF, v24  }
0x39: {  	v49 =	vshrl.u32 v38, $0x10;
	v50 =	vshrl.u32 v38, $0x8;
	v51 =	vshrl.u32 v38, $0x18  }
0x3a: {  	v52 =	vshrl.u32 v43, $0x10;
	v53 =	vshrl.u32 v43, $0x8;
	v54 =	vshrl.u32 v43, $0x18  }
0x3b: {  	v25 =	vshrl.u32 v46, $0x10;
	v26 =	vand.u32 $0xFF, v46;
	v55 =	vshrl.u32 v46, $0x8  }
0x3c: {  	v11 =	vand.u32 $0xFF, v11;
	v12 =	vand.u32 $0xFF, v12;
	v15 =	vand.u32 $0xFF, v15  }
0x3d: {  	v16 =	vand.u32 $0xFF, v16;
	v18 =	vand.u32 $0xFF, v18;
	v19 =	vand.u32 $0xFF, v19  }
0x3e: {  	v22 =	vand.u32 $0xFF, v22;
	v23 =	vand.u32 $0xFF, v23;
	v8 =	vpack.i.b32.b16 v10, v8  }
0x3f: {  	v9 =	vpack.i.b32.b16 v13, v9;
	v41 =	vpack.i.b32.b16 v20, v14;
	v42 =	vpack.i.b32.b16 v21, v17  }
0x40: {  	s21 =	sshll.u32 s19, $0x2;
	v13 =	vand.u32 $0xFF, v44;
	v20 =	vand.u32 $0xFF, v50;
	v14 =	vand.u32 $0xFF, v43  }
0x41: {  	s19 =	sor.u32 $0x80, s21;
	v25 =	vand.u32 $0xFF, v25;
	v62 =	vpack.i.b32.b16 v54, v47;
	v8 =	vpack.i.b16.b8 v9, v8  }
0x42: {  	s31 =	sor.u32 s17, s19;
	v36 =	vpack.i.b32.b16 v19, v12;
	v37 =	vpack.i.b32.b16 v23, v16;
	v39 =	vpack.i.b32.b16 v18, v11  }
0x43: {  	s20 =	sshrl.u32 s31, $0x2;
	v40 =	vpack.i.b32.b16 v22, v15;
	v11 =	vpack.i.b16.b8 v42, v41;
	v15 =	vand.u32 $0xFF, v45  }
0x44: {  	v56 =	vld.idx.msk [tilespmem:v0+s20+$0x0 ss:$0x1], $0xffff;
	v19 =	vand.u32 $0xFF, v49;
	v12 =	vand.u32 $0xFF, v38;
	v22 =	vand.u32 $0xFF, v52  }
0x45: {  	v59 =	vld.idx.msk [tilespmem:v1+s20+$0x0 ss:$0x1], $0xffff;
	v23 =	vand.u32 $0xFF, v53;
	v14 =	vpack.i.b32.b16 v14, v48;
	v16 =	vshrl.u32 v46, $0x18  }
0x46: {  	v61 =	vld.idx.msk [tilespmem:v2+s20+$0x0 ss:$0x1], $0xffff;
	v18 =	vand.u32 $0xFF, v55;
	v9 =	vpack.i.b16.b8 v37, v36;
	v10 =	vpack.i.b16.b8 v40, v39  }
0x47: {  	v63 =	vld.idx.msk [tilespmem:v3+s20+$0x0 ss:$0x1], $0xffff;
	v12 =	vpack.i.b32.b16 v26, v12;
	v57 =	vpack.i.b32.b16 v23, v15;
	v58 =	vpack.i.b32.b16 v18, v20  }
0x48: {  	v13 =	vpack.i.b32.b16 v22, v13;
	v60 =	vpack.i.b32.b16 v25, v19;
	v16 =	vpack.i.b32.b16 v16, v51  }
0x49: {  	v25 =	vshrl.u32 v56, $0x10;
	v27 =	vshrl.u32 v56, $0x8;
	v28 =	vshrl.u32 v56, $0x18  }
0x4a: {  	s21 =	sor.u32 s16, s21;
	v29 =	vand.u32 $0xFF, v56;
	v30 =	vshrl.u32 v59, $0x18;
	v31 =	vshrl.u32 v59, $0x10  }
0x4b: {  	s21 =	sshrl.u32 s21, $0x2;
	v32 =	vshrl.u32 v59, $0x8;
	v33 =	vand.u32 $0xFF, v61;
	v18 =	vand.u32 $0xFF, v59  }
0x4c: {  	v34 =	vand.u32 $0xFF, v63;
	v35 =	vshrl.u32 v61, $0x10;
	[tilespmem:v4+s21+$0x0 ss:$0x1] =	vst.idx.msk $0xffff, v8;
	v8 =	vshrl.u32 v61, $0x18  }
0x4d: {  	v19 =	vshrl.u32 v61, $0x8;
	v37 =	vshrl.u32 v63, $0x8;
	v39 =	vshrl.u32 v63, $0x10  }
0x4e: {  	v40 =	vshrl.u32 v63, $0x18;
	v12 =	vpack.i.b16.b8 v12, v14;
	v14 =	vpack.i.b16.b8 v58, v57  }
0x4f: {  	v13 =	vpack.i.b16.b8 v60, v13;
	v15 =	vpack.i.b16.b8 v16, v62;
	v16 =	vand.u32 $0xFF, v25  }
0x50: {  	v43 =	vld.idx.msk [tilespmem:v2+s20+$0x10 ss:$0x1], $0xffff;
	v20 =	vand.u32 $0xFF, v27;
	v24 =	vand.u32 $0xFF, v31;
	v22 =	vpack.i.b32.b16 v33, v29  }
0x51: {  	v38 =	vld.idx.msk [tilespmem:v0+s20+$0x10 ss:$0x1], $0xffff;
	v25 =	vand.u32 $0xFF, v32;
	v18 =	vpack.i.b32.b16 v34, v18;
	v26 =	vand.u32 $0xFF, v35  }
0x52: {  	v42 =	vld.idx.msk [tilespmem:v1+s20+$0x10 ss:$0x1], $0xffff;
	[tilespmem:v5+s21+$0x0 ss:$0x1] =	vst.idx.msk $0xffff, v9;
	v36 =	vand.u32 $0xFF, v19;
	v19 =	vand.u32 $0xFF, v37;
	v8 =	vpack.i.b32.b16 v8, v28  }
0x53: {  	v46 =	vld.idx.msk [tilespmem:v3+s20+$0x10 ss:$0x1], $0xffff;
	v18 =	vpack.i.b16.b8 v18, v22;
	v9 =	vpack.i.b32.b16 v36, v20;
	v41 =	vpack.i.b32.b16 v19, v25  }
0x54: {  	[tilespmem:v6+s21+$0x0 ss:$0x1] =	vst.idx.msk $0xffff, v10;
	v10 =	vand.u32 $0xFF, v39;
	v16 =	vpack.i.b32.b16 v26, v16;
	v9 =	vpack.i.b16.b8 v41, v9  }
0x55: {  	[tilespmem:v7+s21+$0x0 ss:$0x1] =	vst.idx.msk $0xffff, v11;
	v10 =	vpack.i.b32.b16 v10, v24;
	v11 =	vpack.i.b32.b16 v40, v30;
	v53 =	vshrl.u32 v43, $0x18  }
0x56: {  	s19 =	sor.u32 s16, s19;
	[tilespmem:v4+s21+$0x10 ss:$0x1] =	vst.idx.msk $0xffff, v12;
	v54 =	vshrl.u32 v43, $0x8;
	v55 =	vshrl.u32 v43, $0x10;
	v10 =	vpack.i.b16.b8 v10, v16  }
0x57: {  	s19 =	sshrl.u32 s19, $0x2;
	[tilespmem:v5+s21+$0x10 ss:$0x1] =	vst.idx.msk $0xffff, v14;
	v8 =	vpack.i.b16.b8 v11, v8;
	v44 =	vshrl.u32 v38, $0x10;
	v45 =	vshrl.u32 v38, $0x8  }
0x58: {  	[tilespmem:v4+s19+$0x0 ss:$0x1] =	vst.idx.msk $0xffff, v18;
	v47 =	vshrl.u32 v38, $0x18;
	v48 =	vand.u32 $0xFF, v38;
	v49 =	vshrl.u32 v42, $0x10  }
0x59: {  	[tilespmem:v6+s21+$0x10 ss:$0x1] =	vst.idx.msk $0xffff, v13;
	v50 =	vshrl.u32 v42, $0x8;
	v51 =	vshrl.u32 v42, $0x18;
	v52 =	vand.u32 $0xFF, v42  }
0x5a: {  	[tilespmem:v5+s19+$0x0 ss:$0x1] =	vst.idx.msk $0xffff, v9;
	v22 =	vand.u32 $0xFF, v54;
	v16 =	vand.u32 $0xFF, v43;
	v56 =	vshrl.u32 v46, $0x10  }
0x5b: {  	v57 =	vshrl.u32 v46, $0x8;
	v58 =	vand.u32 $0xFF, v46;
	v9 =	vand.u32 $0xFF, v55;
	[tilespmem:v7+s21+$0x10 ss:$0x1] =	vst.idx.msk $0xffff, v15  }
0x5c: {  	v11 =	vand.u32 $0xFF, v44;
	v12 =	vand.u32 $0xFF, v45;
	v21 =	vand.u32 $0xFF, v50;
	[tilespmem:v6+s19+$0x0 ss:$0x1] =	vst.idx.msk $0xffff, v10  }
0x5d: {  	v13 =	vpack.i.b32.b16 v16, v48;
	v59 =	vpack.i.b32.b16 v58, v52;
	[tilespmem:v7+s19+$0x0 ss:$0x1] =	vst.idx.msk $0xffff, v8;
	v8 =	vand.u32 $0xFF, v57  }
0x5e: {  	p2 =	por p1, p1;
	v13 =	vpack.i.b16.b8 v59, v13;
	v12 =	vpack.i.b32.b16 v22, v12;
	v8 =	vpack.i.b32.b16 v8, v21  }
.Ltmp3:
0x5f: {  	v20 =	vand.u32 $0xFF, v49;
	v10 =	vand.u32 $0xFF, v56;
	[tilespmem:v4+s19+$0x10 ss:$0x1] =	vst.idx.msk $0xffff, v13;
	v8 =	vpack.i.b16.b8 v8, v12;
	(pc) =	sbr.rel @p2 .LBB1_5-.Ltmp3, $4  }
0x60: {  	v60 =	vshrl.u32 v46, $0x18;
	v61 =	vpack.i.b32.b16 v10, v20;
	[tilespmem:v5+s19+$0x10 ss:$0x1] =	vst.idx.msk $0xffff, v8;
	v8 =	vpack.i.b32.b16 v9, v11  }
0x61: {  	v62 =	vpack.i.b32.b16 v53, v47;
	v63 =	vpack.i.b32.b16 v60, v51;
	v8 =	vpack.i.b16.b8 v61, v8  }
0x62: {  	[tilespmem:v6+s19+$0x10 ss:$0x1] =	vst.idx.msk $0xffff, v8;
	v8 =	vpack.i.b16.b8 v63, v62  }
0x63: {  	p1 =	por $0x0, $0x0;
	[tilespmem:v7+s19+$0x10 ss:$0x1] =	vst.idx.msk $0xffff, v8;
	s19 =	simm.s32 $0x40  }
.Ltmp4:
0x64: {  	(pc) =	sbr.rel @p0 .LBB1_4-.Ltmp4, $2  }
0x65: {  	_ =	sdelay $0x2  }
0x66: {  	s18 =	simm.s32 $0x4;
	p1 =	por $0x0, $0x0  }
0x67: {  	p0 =	slt.u32 s15, $0x1C  }
.Ltmp5:
0x68: {  	_ = 	snop;
	(pc) =	sbr.rel @p0 .LBB1_3-.Ltmp5, $3  }
0x69: {  	_ =	sdelay $0x1  }
0x6a: {  	s16 =	sadd.s32 $0x4, s15  }
0x6b: {  	s15 =	smov.u32 s16  }
.Ltmp6:
0x6c: {  	(pc) =	sbr.rel .LBB1_9-.Ltmp6, $4  }
0x6d: {  	s12 =	sshll.u32 s12, $0xB;
	s11 =	sshll.u32 s11, $0x2  }
0x6e: {  	s11 =	sand.u32 $0xF0, s11;
	s12 =	sadd.s32 s2, s12  }
0x6f: {  	s11 =	sadd.s32 s11, s12  }
0x70: {  	[hbm4b:s11+s6] =	stream.strided.scatter [tilespmem:s13], [sflag:$0x2], $0x2000, s7, s6, $0x38;
	[tilespmem:$0x8000] =	vst v63  }
.LBB1_10:
0x71: {  	_ =	sfence.sel $0x180000  }
0x72: {  	s2 =	simm.s32 $0x1;
	[bflag:$0x0] =	sbarrier.arrive $0xFFFF  }
0x73: {  	s31 =	simm.s32 $0x2;
	[sflag:s2] =	ssyncpa.u1 $0x1  }
0x74: {  	[sflag:s31] =	ssyncpa.u1 $0x1  }
0x75: {  	p0 =	sne.s32 s1, $0x0;
	_ =	strace $0x90000047  }
0x76: {  	s0 =	sadd.s32 @!p0 $0x100000, s0;
	[bflag:$0x2] =	sbarrier.arrive $0xFFFF  }
0x77: {  	[sflag:s0] =	ssyncadd.tile.s32 @!p0 $0x1;
	_ =	shalt  }
.Lfunc_end1:
_tile_overlayer_lowered:
.L_overlay_start_2:
0x78: {  	(tag) =	ssettag $0x2  }
0x79: {  	s0 =	rddreg [dreg:$0x0];
	s2 =	stileid.u32  }
0x7a: {  	s1 =	rddreg [dreg:$0x1];
	p0 =	sne.s32 s2, $0x0  }
0x7b: {  	s3 =	rddreg [dreg:$0x2];
	[bflag:$0x3] =	sbarrier.arrive $0xFFFF;
	s2 =	simm.s32 @!p0 $0x1C01  }
0x7c: {  	[timem:s3], [sflag:s2] =	dma.local @!p0 [hbm:s0], s1  }
0x7d: {  	s0 =	simm.s32 @!p0 $0x1  }
0x7e: {  	_ =	swait.ge @!p0 [sflag:s0], s1  }
0x7f: {  	s1 =	ssub.s32 @!p0 $0x0, s1;
	[sflag:s0] =	ssyncset.done @!p0 $0x0  }
0x80: {  	[sflag:s0] =	ssyncadd.s32 @!p0 s1  }
0x81: {  	[bflag:$0x3] =	sbarrier.arrive $0xFFFF  }
0x82: {  	_ =	shalt  }

</sc_bundles>
